<compile_context>
chip_gen: v7x
topology: tpu7x:2x2x1
jax: 0.10.2.dev20260603
libtpu: 0.0.44.dev20260713+nightly
codegen_flags: <defaults>
</compile_context>

<pallas_src>
import functools
import numpy as np
import jax
import jax.numpy as jnp
from jax.experimental import pallas as pl
from jax.experimental.pallas import tpu as pltpu


def _round_up(v, m):
    return ((v + m - 1) // m) * m


def _prop_kernel(a_ref, tx1_ref, tx0_ref, w_ref, acc_ref, b_ref,
                 tx2_ref, out_ref, *, first, last):
    t = jnp.dot(a_ref[...], tx1_ref[...], preferred_element_type=jnp.float32,
                precision=jax.lax.Precision.HIGHEST)
    if not first:
        t = 2.0 * t - tx0_ref[...]
    tx2_ref[...] = t
    o = acc_ref[...] + jnp.dot(t, w_ref[...], preferred_element_type=jnp.float32,
                               precision=jax.lax.Precision.HIGHEST)
    if last:
        o = jnp.maximum(o + b_ref[0:1, :], 0.0)
    out_ref[...] = o


def _init_kernel(x_ref, w_ref, o_ref):
    o_ref[...] = jnp.dot(x_ref[...], w_ref[...],
                         preferred_element_type=jnp.float32,
                         precision=jax.lax.Precision.HIGHEST)


def _fc_kernel(x_ref, w_ref, b_ref, w2_ref, b2_ref, o_ref, acc_ref):
    @pl.when(pl.program_id(0) == 0)
    def _():
        acc_ref[...] = jnp.zeros_like(acc_ref)

    acc_ref[...] += jnp.dot(x_ref[...], w_ref[...],
                            preferred_element_type=jnp.float32,
                            precision=jax.lax.Precision.HIGHEST)

    @pl.when(pl.program_id(0) == pl.num_programs(0) - 1)
    def _():
        h = acc_ref[...] + b_ref[...]
        z = jnp.dot(h, w2_ref[...], preferred_element_type=jnp.float32,
                    precision=jax.lax.Precision.HIGHEST)
        z = z + b2_ref[...]
        m = jnp.max(z, axis=1, keepdims=True)
        e = jnp.exp(z - m)
        lse = jnp.log(jnp.sum(e, axis=1, keepdims=True)) + m
        o_ref[...] = z - lse


def _prop(a, tx1, tx0, w, acc, bvec, *, first, last, rb):
    np_, fi = tx1.shape
    fo = w.shape[1]
    kern = functools.partial(_prop_kernel, first=first, last=last)
    return pl.pallas_call(
        kern,
        grid=(np_ // rb,),
        in_specs=[
            pl.BlockSpec((rb, np_), lambda i: (i, 0)),
            pl.BlockSpec((np_, fi), lambda i: (0, 0)),
            pl.BlockSpec((rb, fi), lambda i: (i, 0)),
            pl.BlockSpec((fi, fo), lambda i: (0, 0)),
            pl.BlockSpec((rb, fo), lambda i: (i, 0)),
            pl.BlockSpec((8, fo), lambda i: (0, 0)),
        ],
        out_specs=[
            pl.BlockSpec((rb, fi), lambda i: (i, 0)),
            pl.BlockSpec((rb, fo), lambda i: (i, 0)),
        ],
        out_shape=[
            jax.ShapeDtypeStruct((np_, fi), jnp.float32),
            jax.ShapeDtypeStruct((np_, fo), jnp.float32),
        ],
        input_output_aliases={4: 1},
    )(a, tx1, tx0, w, acc, bvec)


def _cheb_layer(a, x0, wbd, bvec, rb):
    np_, fi = x0.shape
    k_total, _, fo = wbd.shape
    acc = pl.pallas_call(
        _init_kernel,
        grid=(np_ // rb,),
        in_specs=[
            pl.BlockSpec((rb, fi), lambda i: (i, 0)),
            pl.BlockSpec((fi, fo), lambda i: (0, 0)),
        ],
        out_specs=pl.BlockSpec((rb, fo), lambda i: (i, 0)),
        out_shape=jax.ShapeDtypeStruct((np_, fo), jnp.float32),
    )(x0, wbd[0])

    tx2, acc = _prop(a, x0, x0, wbd[1], acc, bvec,
                     first=True, last=False, rb=rb)
    tx0, tx1 = x0, tx2

    def body(k, carry):
        tx0, tx1, acc = carry
        w = jax.lax.dynamic_slice_in_dim(wbd, k, 1, 0)[0]
        tx2, acc2 = _prop(a, tx1, tx0, w, acc, bvec,
                          first=False, last=False, rb=rb)
        return (tx1, tx2, acc2)

    tx0, tx1, acc = jax.lax.fori_loop(2, k_total - 1, body, (tx0, tx1, acc))
    _, out = _prop(a, tx1, tx0, wbd[k_total - 1], acc, bvec,
                   first=False, last=True, rb=rb)
    return out


def kernel(x, edge_index, W1, b1, W2, b2, fc1_w, fc1_b, fc2_w, fc2_b):
    B, N, T = x.shape
    G1 = W1.shape[2]
    G2 = W2.shape[2]
    C = fc1_w.shape[1]
    D = fc2_w.shape[1]

    rb = 256
    np_ = _round_up(N, rb)

    src = edge_index[0].astype(jnp.int32)
    dst = edge_index[1].astype(jnp.int32)
    deg = jnp.zeros((N,), jnp.float32).at[dst].add(1.0)
    dinv = jnp.where(deg > 0, jax.lax.rsqrt(deg), 0.0)
    norm = -dinv[src] * dinv[dst]
    a = jnp.zeros((np_, np_), jnp.float32).at[dst, src].add(norm)

    t_idx = jnp.arange(T, dtype=jnp.float32)
    cosmat = jnp.cos(2.0 * np.pi * jnp.outer(t_idx, t_idx) / T)
    w1c = jnp.einsum('tu,kug->ktg', cosmat, W1)
    eye_b = jnp.eye(B, dtype=jnp.float32)
    wbd1 = jax.vmap(lambda w: jnp.kron(eye_b, w))(w1c)
    wbd2 = jax.vmap(lambda w: jnp.kron(eye_b, w))(W2)

    fi1 = _round_up(B * T, 128)
    wbd1 = jnp.pad(wbd1, ((0, 0), (0, fi1 - B * T), (0, 0)))

    x0 = jnp.transpose(x, (1, 0, 2)).reshape(N, B * T)
    x0 = jnp.pad(x0, ((0, np_ - N), (0, fi1 - B * T)))

    b1v = jnp.tile(jnp.tile(b1, B)[None, :], (8, 1))
    b2v = jnp.tile(jnp.tile(b2, B)[None, :], (8, 1))

    h1 = _cheb_layer(a, x0, wbd1, b1v, rb)
    h2 = _cheb_layer(a, h1, wbd2, b2v, rb)

    hf = jnp.transpose(h2[:N].reshape(N, B, G2), (1, 0, 2)).reshape(B, N * G2)

    dp = 128
    w2p = jnp.pad(fc2_w, ((0, 0), (0, dp - D)))
    b2p = jnp.concatenate([fc2_b, jnp.full((dp - D,), -1e30, jnp.float32)])
    b2p = jnp.tile(b2p[None, :], (B, 1))
    b1p = jnp.tile(fc1_b[None, :], (B, 1))

    kb = 1024
    n_k = (N * G2) // kb
    out = pl.pallas_call(
        _fc_kernel,
        grid=(n_k,),
        in_specs=[
            pl.BlockSpec((B, kb), lambda i: (0, i)),
            pl.BlockSpec((kb, C), lambda i: (i, 0)),
            pl.BlockSpec((B, C), lambda i: (0, 0)),
            pl.BlockSpec((C, dp), lambda i: (0, 0)),
            pl.BlockSpec((B, dp), lambda i: (0, 0)),
        ],
        out_specs=pl.BlockSpec((B, dp), lambda i: (0, 0)),
        out_shape=jax.ShapeDtypeStruct((B, dp), jnp.float32),
        scratch_shapes=[pltpu.VMEM((B, C), jnp.float32)],
    )(hf, fc1_w, b1p, w2p, b2p)
    return out[:, :D]

# --- scband reference (transcript-rebuilt; emitter-appended) ---
"""Pipeline reference for scband-net-tgcn-34668976014109 (READ-ONLY COPY).

The authoritative reference and input builder live on the scoring server;
editing this copy changes nothing except your own understanding.
"""

import jax, jax.numpy as jnp
import numpy as np

B, N, T = 8, 10000, 15
E = 320000
K1, G1 = 25, 32
K2, G2 = 25, 64
C, D = 512, 6

def setup_inputs(seed: int = 0):
    key = jax.random.key(seed)
    ks = jax.random.split(key, 10)
    x = jax.random.normal(ks[0], (B, N, T), dtype=jnp.float32)
    edge_index = jax.random.randint(ks[1], (2, E), 0, N).astype(jnp.int64)
    W1 = jax.random.normal(ks[2], (K1, T, G1), dtype=jnp.float32) * (1.0 / np.sqrt(K1 * T))
    b1 = jnp.zeros((G1,), jnp.float32)
    W2 = jax.random.normal(ks[3], (K2, G1, G2), dtype=jnp.float32) * (1.0 / np.sqrt(K2 * G1))
    b2 = jnp.zeros((G2,), jnp.float32)
    fc1_w = jax.random.normal(ks[4], (N * G2, C), dtype=jnp.float32) * (1.0 / np.sqrt(N * G2))
    fc1_b = jnp.zeros((C,), jnp.float32)
    fc2_w = jax.random.normal(ks[5], (C, D), dtype=jnp.float32) * (1.0 / np.sqrt(C))
    fc2_b = jnp.zeros((D,), jnp.float32)
    return dict(x=x, edge_index=edge_index, W1=W1, b1=b1, W2=W2, b2=b2,
                fc1_w=fc1_w, fc1_b=fc1_b, fc2_w=fc2_w, fc2_b=fc2_b)

def _cheb(h, src, dst, norm, W, b, n):
    # h: [N, B, Fin]; W: [K, Fin, Fout]. Chebyshev recurrence on L_hat = -D^-1/2 A D^-1/2
    def prop(t):
        msg = t[src] * norm[:, None, None]
        return jax.ops.segment_sum(msg, dst, num_segments=n)
    Tx0 = h
    out = jnp.einsum('nbf,fg->nbg', Tx0, W[0])
    if W.shape[0] > 1:
        Tx1 = prop(Tx0)
        out = out + jnp.einsum('nbf,fg->nbg', Tx1, W[1])
        for k in range(2, W.shape[0]):
            Tx2 = 2.0 * prop(Tx1) - Tx0
            out = out + jnp.einsum('nbf,fg->nbg', Tx2, W[k])
            Tx0, Tx1 = Tx1, Tx2
    return out + b

def reference(x, edge_index, W1, b1, W2, b2, fc1_w, fc1_b, fc2_w, fc2_b):
    n = x.shape[1]
    t = x.shape[2]
    src = edge_index[0]
    dst = edge_index[1]
    deg = jax.ops.segment_sum(jnp.ones((src.shape[0],), jnp.float32), dst, num_segments=n)
    dinv = jnp.where(deg > 0, 1.0 / jnp.sqrt(deg), 0.0)
    norm = -dinv[src] * dinv[dst]
    # real part of FFT along time axis == multiply by cosine DFT matrix (x is real)
    cosmat = jnp.cos(2.0 * np.pi * jnp.outer(jnp.arange(t), jnp.arange(t)) / t).astype(jnp.float32)
    xr = jnp.einsum('bnt,tf->bnf', x, cosmat)
    h = jnp.transpose(xr, (1, 0, 2))  # [N, B, T]
    h = jax.nn.relu(_cheb(h, src, dst, norm, W1, b1, n))  # ChebTimeConv: [N, B, G1]
    h = jax.nn.relu(_cheb(h, src, dst, norm, W2, b2, n))  # ChebConv:     [N, B, G2]
    h = jnp.transpose(h, (1, 0, 2)).reshape(x.shape[0], -1)  # [B, N*G2]
    h = h @ fc1_w + fc1_b
    h = h @ fc2_w + fc2_b
    return jax.nn.log_softmax(h, axis=1)

if __name__ == "__main__":
    import jax
    _d = setup_inputs()
    print(jax.jit(kernel)(*tuple(_d.values())))

</pallas_src>

<mosaic_0001>
module attributes {stable_mosaic.version = 14 : i64} {
  func.func @_init_kernel(%arg0: i32, %arg1: memref<256x128xf32, #tpu.memory_space<vmem>>, %arg2: memref<128x256xf32, #tpu.memory_space<vmem>>, %arg3: memref<256x256xf32, #tpu.memory_space<vmem>>) attributes {dimension_semantics = [#tpu.dimension_semantics<arbitrary>], iteration_bounds = array<i64: 40>, scalar_prefetch = 0 : i64, scratch_operands = 0 : i64, tpu.core_type = #tpu.core_type<tc>, window_params = [{transform_indices = @transform_0, window_bounds = array<i64: 256, 128>}, {pipeline_mode = #tpu.pipeline_mode<synchronous>, transform_indices = @transform_1, window_bounds = array<i64: 128, 256>}, {transform_indices = @transform_2, window_bounds = array<i64: 256, 256>}]} {
    %get3A = arith.constant 0 : index
    %get3A_0 = arith.constant 0 : index
    %get3A_1 = vector.load %arg1[%get3A, %get3A_0] : memref<256x128xf32, #tpu.memory_space<vmem>>, vector<256x128xf32>
    %get3A_2 = arith.constant 0 : index
    %get3A_3 = arith.constant 0 : index
    %get3A_4 = vector.load %arg2[%get3A_2, %get3A_3] : memref<128x256xf32, #tpu.memory_space<vmem>>, vector<128x256xf32>
    %dot_general3A = arith.constant dense<0.000000e+00> : vector<256x256xf32>
    %dot_general3A_5 = tpu.matmul %get3A_1, %get3A_4, %dot_general3A {dimension_numbers = #tpu.dot_dimension_numbers<[1], [0], [0], [1], [0, 0, 1, 1], [], []>, precision = #tpu.contract_precision<fp32>, transpose_lhs_hint = false} : vector<256x128xf32>, vector<128x256xf32>, vector<256x256xf32> -> vector<256x256xf32>
    %swap3A = arith.constant 0 : index
    %swap3A_6 = arith.constant 0 : index
    %swap3A_7 = vector.load %arg3[%swap3A, %swap3A_6] : memref<256x256xf32, #tpu.memory_space<vmem>>, vector<256x256xf32>
    tpu.vector_store %arg3[%swap3A, %swap3A_6], %dot_general3A_5 {strides = array<i32>} : memref<256x256xf32, #tpu.memory_space<vmem>>, vector<256x256xf32>,
    return
  }
  func.func @transform_0(%arg0: i32) -> (i32, i32) {
    %c0_i32 = arith.constant 0 : i32
    %c0_i32_0 = arith.constant 0 : i32
    return %arg0, %c0_i32 : i32, i32
  }
  func.func @transform_1(%arg0: i32) -> (i32, i32) {
    %c0_i32 = arith.constant 0 : i32
    %c0_i32_0 = arith.constant 0 : i32
    %c0_i32_1 = arith.constant 0 : i32
    return %c0_i32, %c0_i32_0 : i32, i32
  }
  func.func @transform_2(%arg0: i32) -> (i32, i32) {
    %c0_i32 = arith.constant 0 : i32
    %c0_i32_0 = arith.constant 0 : i32
    return %arg0, %c0_i32 : i32, i32
  }
}

module attributes {stable_mosaic.version = 14 : i64} {
  func.func @_prop_kernel(%arg0: i32, %arg1: memref<256x10240xf32, #tpu.memory_space<vmem>>, %arg2: memref<10240x128xf32, #tpu.memory_space<vmem>>, %arg3: memref<256x128xf32, #tpu.memory_space<vmem>>, %arg4: memref<128x256xf32, #tpu.memory_space<vmem>>, %arg5: memref<256x256xf32, #tpu.memory_space<vmem>>, %arg6: memref<8x256xf32, #tpu.memory_space<vmem>>, %arg7: memref<256x128xf32, #tpu.memory_space<vmem>>, %arg8: memref<256x256xf32, #tpu.memory_space<vmem>>) attributes {dimension_semantics = [#tpu.dimension_semantics<arbitrary>], iteration_bounds = array<i64: 40>, scalar_prefetch = 0 : i64, scratch_operands = 0 : i64, tpu.core_type = #tpu.core_type<tc>, window_params = [{transform_indices = @transform_0, window_bounds = array<i64: 256, 10240>}, {pipeline_mode = #tpu.pipeline_mode<synchronous>, transform_indices = @transform_1, window_bounds = array<i64: 10240, 128>}, {transform_indices = @transform_2, window_bounds = array<i64: 256, 128>}, {pipeline_mode = #tpu.pipeline_mode<synchronous>, transform_indices = @transform_3, window_bounds = array<i64: 128, 256>}, {transform_indices = @transform_4, window_bounds = array<i64: 256, 256>}, {pipeline_mode = #tpu.pipeline_mode<synchronous>, transform_indices = @transform_5, window_bounds = array<i64: 8, 256>}, {transform_indices = @transform_6, window_bounds = array<i64: 256, 128>}, {transform_indices = @transform_7, window_bounds = array<i64: 256, 256>}]} {
    %get3A = arith.constant 0 : index
    %get3A_0 = arith.constant 0 : index
    %get3A_1 = vector.load %arg1[%get3A, %get3A_0] : memref<256x10240xf32, #tpu.memory_space<vmem>>, vector<256x10240xf32>
    %get3A_2 = arith.constant 0 : index
    %get3A_3 = arith.constant 0 : index
    %get3A_4 = vector.load %arg2[%get3A_2, %get3A_3] : memref<10240x128xf32, #tpu.memory_space<vmem>>, vector<10240x128xf32>
    %dot_general3A = arith.constant dense<0.000000e+00> : vector<256x128xf32>
    %dot_general3A_5 = tpu.matmul %get3A_1, %get3A_4, %dot_general3A {dimension_numbers = #tpu.dot_dimension_numbers<[1], [0], [0], [1], [0, 0, 1, 1], [], []>, precision = #tpu.contract_precision<fp32>, transpose_lhs_hint = false} : vector<256x10240xf32>, vector<10240x128xf32>, vector<256x128xf32> -> vector<256x128xf32>
    %swap3A = arith.constant 0 : index
    %swap3A_6 = arith.constant 0 : index
    %swap3A_7 = vector.load %arg7[%swap3A, %swap3A_6] : memref<256x128xf32, #tpu.memory_space<vmem>>, vector<256x128xf32>
    tpu.vector_store %arg7[%swap3A, %swap3A_6], %dot_general3A_5 {strides = array<i32>} : memref<256x128xf32, #tpu.memory_space<vmem>>, vector<256x128xf32>,
    %get3A_8 = arith.constant 0 : index
    %get3A_9 = arith.constant 0 : index
    %get3A_10 = vector.load %arg5[%get3A_8, %get3A_9] : memref<256x256xf32, #tpu.memory_space<vmem>>, vector<256x256xf32>
    %get3A_11 = arith.constant 0 : index
    %get3A_12 = arith.constant 0 : index
    %get3A_13 = vector.load %arg4[%get3A_11, %get3A_12] : memref<128x256xf32, #tpu.memory_space<vmem>>, vector<128x256xf32>
    %dot_general3A_14 = arith.constant dense<0.000000e+00> : vector<256x256xf32>
    %dot_general3A_15 = tpu.matmul %dot_general3A_5, %get3A_13, %dot_general3A_14 {dimension_numbers = #tpu.dot_dimension_numbers<[1], [0], [0], [1], [0, 0, 1, 1], [], []>, precision = #tpu.contract_precision<fp32>, transpose_lhs_hint = false} : vector<256x128xf32>, vector<128x256xf32>, vector<256x256xf32> -> vector<256x256xf32>
    %add3A = arith.addf %get3A_10, %dot_general3A_15 : vector<256x256xf32>
    %swap3A_16 = arith.constant 0 : index
    %swap3A_17 = arith.constant 0 : index
    %swap3A_18 = vector.load %arg8[%swap3A_16, %swap3A_17] : memref<256x256xf32, #tpu.memory_space<vmem>>, vector<256x256xf32>
    tpu.vector_store %arg8[%swap3A_16, %swap3A_17], %add3A {strides = array<i32>} : memref<256x256xf32, #tpu.memory_space<vmem>>, vector<256x256xf32>,
    return
  }
  func.func @transform_0(%arg0: i32) -> (i32, i32) {
    %c0_i32 = arith.constant 0 : i32
    %c0_i32_0 = arith.constant 0 : i32
    return %arg0, %c0_i32 : i32, i32
  }
  func.func @transform_1(%arg0: i32) -> (i32, i32) {
    %c0_i32 = arith.constant 0 : i32
    %c0_i32_0 = arith.constant 0 : i32
    %c0_i32_1 = arith.constant 0 : i32
    return %c0_i32, %c0_i32_0 : i32, i32
  }
  func.func @transform_2(%arg0: i32) -> (i32, i32) {
    %c0_i32 = arith.constant 0 : i32
    %c0_i32_0 = arith.constant 0 : i32
    return %arg0, %c0_i32 : i32, i32
  }
  func.func @transform_3(%arg0: i32) -> (i32, i32) {
    %c0_i32 = arith.constant 0 : i32
    %c0_i32_0 = arith.constant 0 : i32
    %c0_i32_1 = arith.constant 0 : i32
    return %c0_i32, %c0_i32_0 : i32, i32
  }
  func.func @transform_4(%arg0: i32) -> (i32, i32) {
    %c0_i32 = arith.constant 0 : i32
    %c0_i32_0 = arith.constant 0 : i32
    return %arg0, %c0_i32 : i32, i32
  }
  func.func @transform_5(%arg0: i32) -> (i32, i32) {
    %c0_i32 = arith.constant 0 : i32
    %c0_i32_0 = arith.constant 0 : i32
    %c0_i32_1 = arith.constant 0 : i32
    return %c0_i32, %c0_i32_0 : i32, i32
  }
  func.func @transform_6(%arg0: i32) -> (i32, i32) {
    %c0_i32 = arith.constant 0 : i32
    %c0_i32_0 = arith.constant 0 : i32
    return %arg0, %c0_i32 : i32, i32
  }
  func.func @transform_7(%arg0: i32) -> (i32, i32) {
    %c0_i32 = arith.constant 0 : i32
    %c0_i32_0 = arith.constant 0 : i32
    return %arg0, %c0_i32 : i32, i32
  }
}

module attributes {stable_mosaic.version = 14 : i64} {
  func.func @_prop_kernel(%arg0: i32, %arg1: memref<256x10240xf32, #tpu.memory_space<vmem>>, %arg2: memref<10240x128xf32, #tpu.memory_space<vmem>>, %arg3: memref<256x128xf32, #tpu.memory_space<vmem>>, %arg4: memref<128x256xf32, #tpu.memory_space<vmem>>, %arg5: memref<256x256xf32, #tpu.memory_space<vmem>>, %arg6: memref<8x256xf32, #tpu.memory_space<vmem>>, %arg7: memref<256x128xf32, #tpu.memory_space<vmem>>, %arg8: memref<256x256xf32, #tpu.memory_space<vmem>>) attributes {dimension_semantics = [#tpu.dimension_semantics<arbitrary>], iteration_bounds = array<i64: 40>, scalar_prefetch = 0 : i64, scratch_operands = 0 : i64, tpu.core_type = #tpu.core_type<tc>, window_params = [{transform_indices = @transform_0, window_bounds = array<i64: 256, 10240>}, {pipeline_mode = #tpu.pipeline_mode<synchronous>, transform_indices = @transform_1, window_bounds = array<i64: 10240, 128>}, {transform_indices = @transform_2, window_bounds = array<i64: 256, 128>}, {pipeline_mode = #tpu.pipeline_mode<synchronous>, transform_indices = @transform_3, window_bounds = array<i64: 128, 256>}, {transform_indices = @transform_4, window_bounds = array<i64: 256, 256>}, {pipeline_mode = #tpu.pipeline_mode<synchronous>, transform_indices = @transform_5, window_bounds = array<i64: 8, 256>}, {transform_indices = @transform_6, window_bounds = array<i64: 256, 128>}, {transform_indices = @transform_7, window_bounds = array<i64: 256, 256>}]} {
    %get3A = arith.constant 0 : index
    %get3A_0 = arith.constant 0 : index
    %get3A_1 = vector.load %arg1[%get3A, %get3A_0] : memref<256x10240xf32, #tpu.memory_space<vmem>>, vector<256x10240xf32>
    %get3A_2 = arith.constant 0 : index
    %get3A_3 = arith.constant 0 : index
    %get3A_4 = vector.load %arg2[%get3A_2, %get3A_3] : memref<10240x128xf32, #tpu.memory_space<vmem>>, vector<10240x128xf32>
    %dot_general3A = arith.constant dense<0.000000e+00> : vector<256x128xf32>
    %dot_general3A_5 = tpu.matmul %get3A_1, %get3A_4, %dot_general3A {dimension_numbers = #tpu.dot_dimension_numbers<[1], [0], [0], [1], [0, 0, 1, 1], [], []>, precision = #tpu.contract_precision<fp32>, transpose_lhs_hint = false} : vector<256x10240xf32>, vector<10240x128xf32>, vector<256x128xf32> -> vector<256x128xf32>
    %mul3A = arith.constant 2.000000e+00 : f32
    %mul3A_6 = vector.broadcast %mul3A : f32 to vector<256x128xf32>
    %mul3A_7 = arith.mulf %mul3A_6, %dot_general3A_5 : vector<256x128xf32>
    %get3A_8 = arith.constant 0 : index
    %get3A_9 = arith.constant 0 : index
    %get3A_10 = vector.load %arg3[%get3A_8, %get3A_9] : memref<256x128xf32, #tpu.memory_space<vmem>>, vector<256x128xf32>
    %sub3A = arith.subf %mul3A_7, %get3A_10 : vector<256x128xf32>
    %swap3A = arith.constant 0 : index
    %swap3A_11 = arith.constant 0 : index
    %swap3A_12 = vector.load %arg7[%swap3A, %swap3A_11] : memref<256x128xf32, #tpu.memory_space<vmem>>, vector<256x128xf32>
    tpu.vector_store %arg7[%swap3A, %swap3A_11], %sub3A {strides = array<i32>} : memref<256x128xf32, #tpu.memory_space<vmem>>, vector<256x128xf32>,
    %get3A_13 = arith.constant 0 : index
    %get3A_14 = arith.constant 0 : index
    %get3A_15 = vector.load %arg5[%get3A_13, %get3A_14] : memref<256x256xf32, #tpu.memory_space<vmem>>, vector<256x256xf32>
    %get3A_16 = arith.constant 0 : index
    %get3A_17 = arith.constant 0 : index
    %get3A_18 = vector.load %arg4[%get3A_16, %get3A_17] : memref<128x256xf32, #tpu.memory_space<vmem>>, vector<128x256xf32>
    %dot_general3A_19 = arith.constant dense<0.000000e+00> : vector<256x256xf32>
    %dot_general3A_20 = tpu.matmul %sub3A, %get3A_18, %dot_general3A_19 {dimension_numbers = #tpu.dot_dimension_numbers<[1], [0], [0], [1], [0, 0, 1, 1], [], []>, precision = #tpu.contract_precision<fp32>, transpose_lhs_hint = false} : vector<256x128xf32>, vector<128x256xf32>, vector<256x256xf32> -> vector<256x256xf32>
    %add3A = arith.addf %get3A_15, %dot_general3A_20 : vector<256x256xf32>
    %swap3A_21 = arith.constant 0 : index
    %swap3A_22 = arith.constant 0 : index
    %swap3A_23 = vector.load %arg8[%swap3A_21, %swap3A_22] : memref<256x256xf32, #tpu.memory_space<vmem>>, vector<256x256xf32>
    tpu.vector_store %arg8[%swap3A_21, %swap3A_22], %add3A {strides = array<i32>} : memref<256x256xf32, #tpu.memory_space<vmem>>, vector<256x256xf32>,
    return
  }
  func.func @transform_0(%arg0: i32) -> (i32, i32) {
    %c0_i32 = arith.constant 0 : i32
    %c0_i32_0 = arith.constant 0 : i32
    return %arg0, %c0_i32 : i32, i32
  }
  func.func @transform_1(%arg0: i32) -> (i32, i32) {
    %c0_i32 = arith.constant 0 : i32
    %c0_i32_0 = arith.constant 0 : i32
    %c0_i32_1 = arith.constant 0 : i32
    return %c0_i32, %c0_i32_0 : i32, i32
  }
  func.func @transform_2(%arg0: i32) -> (i32, i32) {
    %c0_i32 = arith.constant 0 : i32
    %c0_i32_0 = arith.constant 0 : i32
    return %arg0, %c0_i32 : i32, i32
  }
  func.func @transform_3(%arg0: i32) -> (i32, i32) {
    %c0_i32 = arith.constant 0 : i32
    %c0_i32_0 = arith.constant 0 : i32
    %c0_i32_1 = arith.constant 0 : i32
    return %c0_i32, %c0_i32_0 : i32, i32
  }
  func.func @transform_4(%arg0: i32) -> (i32, i32) {
    %c0_i32 = arith.constant 0 : i32
    %c0_i32_0 = arith.constant 0 : i32
    return %arg0, %c0_i32 : i32, i32
  }
  func.func @transform_5(%arg0: i32) -> (i32, i32) {
    %c0_i32 = arith.constant 0 : i32
    %c0_i32_0 = arith.constant 0 : i32
    %c0_i32_1 = arith.constant 0 : i32
    return %c0_i32, %c0_i32_0 : i32, i32
  }
  func.func @transform_6(%arg0: i32) -> (i32, i32) {
    %c0_i32 = arith.constant 0 : i32
    %c0_i32_0 = arith.constant 0 : i32
    return %arg0, %c0_i32 : i32, i32
  }
  func.func @transform_7(%arg0: i32) -> (i32, i32) {
    %c0_i32 = arith.constant 0 : i32
    %c0_i32_0 = arith.constant 0 : i32
    return %arg0, %c0_i32 : i32, i32
  }
}

module attributes {stable_mosaic.version = 14 : i64} {
  func.func @_prop_kernel(%arg0: i32, %arg1: memref<256x10240xf32, #tpu.memory_space<vmem>>, %arg2: memref<10240x128xf32, #tpu.memory_space<vmem>>, %arg3: memref<256x128xf32, #tpu.memory_space<vmem>>, %arg4: memref<128x256xf32, #tpu.memory_space<vmem>>, %arg5: memref<256x256xf32, #tpu.memory_space<vmem>>, %arg6: memref<8x256xf32, #tpu.memory_space<vmem>>, %arg7: memref<256x128xf32, #tpu.memory_space<vmem>>, %arg8: memref<256x256xf32, #tpu.memory_space<vmem>>) attributes {dimension_semantics = [#tpu.dimension_semantics<arbitrary>], iteration_bounds = array<i64: 40>, scalar_prefetch = 0 : i64, scratch_operands = 0 : i64, tpu.core_type = #tpu.core_type<tc>, window_params = [{transform_indices = @transform_0, window_bounds = array<i64: 256, 10240>}, {pipeline_mode = #tpu.pipeline_mode<synchronous>, transform_indices = @transform_1, window_bounds = array<i64: 10240, 128>}, {transform_indices = @transform_2, window_bounds = array<i64: 256, 128>}, {pipeline_mode = #tpu.pipeline_mode<synchronous>, transform_indices = @transform_3, window_bounds = array<i64: 128, 256>}, {transform_indices = @transform_4, window_bounds = array<i64: 256, 256>}, {pipeline_mode = #tpu.pipeline_mode<synchronous>, transform_indices = @transform_5, window_bounds = array<i64: 8, 256>}, {transform_indices = @transform_6, window_bounds = array<i64: 256, 128>}, {transform_indices = @transform_7, window_bounds = array<i64: 256, 256>}]} {
    %get3A = arith.constant 0 : index
    %get3A_0 = arith.constant 0 : index
    %get3A_1 = vector.load %arg1[%get3A, %get3A_0] : memref<256x10240xf32, #tpu.memory_space<vmem>>, vector<256x10240xf32>
    %get3A_2 = arith.constant 0 : index
    %get3A_3 = arith.constant 0 : index
    %get3A_4 = vector.load %arg2[%get3A_2, %get3A_3] : memref<10240x128xf32, #tpu.memory_space<vmem>>, vector<10240x128xf32>
    %dot_general3A = arith.constant dense<0.000000e+00> : vector<256x128xf32>
    %dot_general3A_5 = tpu.matmul %get3A_1, %get3A_4, %dot_general3A {dimension_numbers = #tpu.dot_dimension_numbers<[1], [0], [0], [1], [0, 0, 1, 1], [], []>, precision = #tpu.contract_precision<fp32>, transpose_lhs_hint = false} : vector<256x10240xf32>, vector<10240x128xf32>, vector<256x128xf32> -> vector<256x128xf32>
    %mul3A = arith.constant 2.000000e+00 : f32
    %mul3A_6 = vector.broadcast %mul3A : f32 to vector<256x128xf32>
    %mul3A_7 = arith.mulf %mul3A_6, %dot_general3A_5 : vector<256x128xf32>
    %get3A_8 = arith.constant 0 : index
    %get3A_9 = arith.constant 0 : index
    %get3A_10 = vector.load %arg3[%get3A_8, %get3A_9] : memref<256x128xf32, #tpu.memory_space<vmem>>, vector<256x128xf32>
    %sub3A = arith.subf %mul3A_7, %get3A_10 : vector<256x128xf32>
    %swap3A = arith.constant 0 : index
    %swap3A_11 = arith.constant 0 : index
    %swap3A_12 = vector.load %arg7[%swap3A, %swap3A_11] : memref<256x128xf32, #tpu.memory_space<vmem>>, vector<256x128xf32>
    tpu.vector_store %arg7[%swap3A, %swap3A_11], %sub3A {strides = array<i32>} : memref<256x128xf32, #tpu.memory_space<vmem>>, vector<256x128xf32>,
    %get3A_13 = arith.constant 0 : index
    %get3A_14 = arith.constant 0 : index
    %get3A_15 = vector.load %arg5[%get3A_13, %get3A_14] : memref<256x256xf32, #tpu.memory_space<vmem>>, vector<256x256xf32>
    %get3A_16 = arith.constant 0 : index
    %get3A_17 = arith.constant 0 : index
    %get3A_18 = vector.load %arg4[%get3A_16, %get3A_17] : memref<128x256xf32, #tpu.memory_space<vmem>>, vector<128x256xf32>
    %dot_general3A_19 = arith.constant dense<0.000000e+00> : vector<256x256xf32>
    %dot_general3A_20 = tpu.matmul %sub3A, %get3A_18, %dot_general3A_19 {dimension_numbers = #tpu.dot_dimension_numbers<[1], [0], [0], [1], [0, 0, 1, 1], [], []>, precision = #tpu.contract_precision<fp32>, transpose_lhs_hint = false} : vector<256x128xf32>, vector<128x256xf32>, vector<256x256xf32> -> vector<256x256xf32>
    %add3A = arith.addf %get3A_15, %dot_general3A_20 : vector<256x256xf32>
    %get3A_21 = arith.constant 0 : index
    %get3A_22 = arith.constant 0 : index
    %get3A_23 = vector.load %arg6[%get3A_21, %get3A_22] : memref<8x256xf32, #tpu.memory_space<vmem>>, vector<1x256xf32>
    %add3A_24 = vector.broadcast %get3A_23 : vector<1x256xf32> to vector<256x256xf32>
    %add3A_25 = arith.addf %add3A, %add3A_24 : vector<256x256xf32>
    %max3A = arith.constant 0.000000e+00 : f32
    %max3A_26 = vector.broadcast %max3A : f32 to vector<256x256xf32>
    %max3A_27 = arith.maximumf %add3A_25, %max3A_26 : vector<256x256xf32>
    %swap3A_28 = arith.constant 0 : index
    %swap3A_29 = arith.constant 0 : index
    %swap3A_30 = vector.load %arg8[%swap3A_28, %swap3A_29] : memref<256x256xf32, #tpu.memory_space<vmem>>, vector<256x256xf32>
    tpu.vector_store %arg8[%swap3A_28, %swap3A_29], %max3A_27 {strides = array<i32>} : memref<256x256xf32, #tpu.memory_space<vmem>>, vector<256x256xf32>,
    return
  }
  func.func @transform_0(%arg0: i32) -> (i32, i32) {
    %c0_i32 = arith.constant 0 : i32
    %c0_i32_0 = arith.constant 0 : i32
    return %arg0, %c0_i32 : i32, i32
  }
  func.func @transform_1(%arg0: i32) -> (i32, i32) {
    %c0_i32 = arith.constant 0 : i32
    %c0_i32_0 = arith.constant 0 : i32
    %c0_i32_1 = arith.constant 0 : i32
    return %c0_i32, %c0_i32_0 : i32, i32
  }
  func.func @transform_2(%arg0: i32) -> (i32, i32) {
    %c0_i32 = arith.constant 0 : i32
    %c0_i32_0 = arith.constant 0 : i32
    return %arg0, %c0_i32 : i32, i32
  }
  func.func @transform_3(%arg0: i32) -> (i32, i32) {
    %c0_i32 = arith.constant 0 : i32
    %c0_i32_0 = arith.constant 0 : i32
    %c0_i32_1 = arith.constant 0 : i32
    return %c0_i32, %c0_i32_0 : i32, i32
  }
  func.func @transform_4(%arg0: i32) -> (i32, i32) {
    %c0_i32 = arith.constant 0 : i32
    %c0_i32_0 = arith.constant 0 : i32
    return %arg0, %c0_i32 : i32, i32
  }
  func.func @transform_5(%arg0: i32) -> (i32, i32) {
    %c0_i32 = arith.constant 0 : i32
    %c0_i32_0 = arith.constant 0 : i32
    %c0_i32_1 = arith.constant 0 : i32
    return %c0_i32, %c0_i32_0 : i32, i32
  }
  func.func @transform_6(%arg0: i32) -> (i32, i32) {
    %c0_i32 = arith.constant 0 : i32
    %c0_i32_0 = arith.constant 0 : i32
    return %arg0, %c0_i32 : i32, i32
  }
  func.func @transform_7(%arg0: i32) -> (i32, i32) {
    %c0_i32 = arith.constant 0 : i32
    %c0_i32_0 = arith.constant 0 : i32
    return %arg0, %c0_i32 : i32, i32
  }
}

module attributes {stable_mosaic.version = 14 : i64} {
  func.func @_init_kernel(%arg0: i32, %arg1: memref<256x256xf32, #tpu.memory_space<vmem>>, %arg2: memref<256x512xf32, #tpu.memory_space<vmem>>, %arg3: memref<256x512xf32, #tpu.memory_space<vmem>>) attributes {dimension_semantics = [#tpu.dimension_semantics<arbitrary>], iteration_bounds = array<i64: 40>, scalar_prefetch = 0 : i64, scratch_operands = 0 : i64, tpu.core_type = #tpu.core_type<tc>, window_params = [{transform_indices = @transform_0, window_bounds = array<i64: 256, 256>}, {pipeline_mode = #tpu.pipeline_mode<synchronous>, transform_indices = @transform_1, window_bounds = array<i64: 256, 512>}, {transform_indices = @transform_2, window_bounds = array<i64: 256, 512>}]} {
    %get3A = arith.constant 0 : index
    %get3A_0 = arith.constant 0 : index
    %get3A_1 = vector.load %arg1[%get3A, %get3A_0] : memref<256x256xf32, #tpu.memory_space<vmem>>, vector<256x256xf32>
    %get3A_2 = arith.constant 0 : index
    %get3A_3 = arith.constant 0 : index
    %get3A_4 = vector.load %arg2[%get3A_2, %get3A_3] : memref<256x512xf32, #tpu.memory_space<vmem>>, vector<256x512xf32>
    %dot_general3A = arith.constant dense<0.000000e+00> : vector<256x512xf32>
    %dot_general3A_5 = tpu.matmul %get3A_1, %get3A_4, %dot_general3A {dimension_numbers = #tpu.dot_dimension_numbers<[1], [0], [0], [1], [0, 0, 1, 1], [], []>, precision = #tpu.contract_precision<fp32>, transpose_lhs_hint = false} : vector<256x256xf32>, vector<256x512xf32>, vector<256x512xf32> -> vector<256x512xf32>
    %swap3A = arith.constant 0 : index
    %swap3A_6 = arith.constant 0 : index
    %swap3A_7 = vector.load %arg3[%swap3A, %swap3A_6] : memref<256x512xf32, #tpu.memory_space<vmem>>, vector<256x512xf32>
    tpu.vector_store %arg3[%swap3A, %swap3A_6], %dot_general3A_5 {strides = array<i32>} : memref<256x512xf32, #tpu.memory_space<vmem>>, vector<256x512xf32>,
    return
  }
  func.func @transform_0(%arg0: i32) -> (i32, i32) {
    %c0_i32 = arith.constant 0 : i32
    %c0_i32_0 = arith.constant 0 : i32
    return %arg0, %c0_i32 : i32, i32
  }
  func.func @transform_1(%arg0: i32) -> (i32, i32) {
    %c0_i32 = arith.constant 0 : i32
    %c0_i32_0 = arith.constant 0 : i32
    %c0_i32_1 = arith.constant 0 : i32
    return %c0_i32, %c0_i32_0 : i32, i32
  }
  func.func @transform_2(%arg0: i32) -> (i32, i32) {
    %c0_i32 = arith.constant 0 : i32
    %c0_i32_0 = arith.constant 0 : i32
    return %arg0, %c0_i32 : i32, i32
  }
}

module attributes {stable_mosaic.version = 14 : i64} {
  func.func @_prop_kernel(%arg0: i32, %arg1: memref<256x10240xf32, #tpu.memory_space<vmem>>, %arg2: memref<10240x256xf32, #tpu.memory_space<vmem>>, %arg3: memref<256x256xf32, #tpu.memory_space<vmem>>, %arg4: memref<256x512xf32, #tpu.memory_space<vmem>>, %arg5: memref<256x512xf32, #tpu.memory_space<vmem>>, %arg6: memref<8x512xf32, #tpu.memory_space<vmem>>, %arg7: memref<256x256xf32, #tpu.memory_space<vmem>>, %arg8: memref<256x512xf32, #tpu.memory_space<vmem>>) attributes {dimension_semantics = [#tpu.dimension_semantics<arbitrary>], iteration_bounds = array<i64: 40>, scalar_prefetch = 0 : i64, scratch_operands = 0 : i64, tpu.core_type = #tpu.core_type<tc>, window_params = [{transform_indices = @transform_0, window_bounds = array<i64: 256, 10240>}, {pipeline_mode = #tpu.pipeline_mode<synchronous>, transform_indices = @transform_1, window_bounds = array<i64: 10240, 256>}, {transform_indices = @transform_2, window_bounds = array<i64: 256, 256>}, {pipeline_mode = #tpu.pipeline_mode<synchronous>, transform_indices = @transform_3, window_bounds = array<i64: 256, 512>}, {transform_indices = @transform_4, window_bounds = array<i64: 256, 512>}, {pipeline_mode = #tpu.pipeline_mode<synchronous>, transform_indices = @transform_5, window_bounds = array<i64: 8, 512>}, {transform_indices = @transform_6, window_bounds = array<i64: 256, 256>}, {transform_indices = @transform_7, window_bounds = array<i64: 256, 512>}]} {
    %get3A = arith.constant 0 : index
    %get3A_0 = arith.constant 0 : index
    %get3A_1 = vector.load %arg1[%get3A, %get3A_0] : memref<256x10240xf32, #tpu.memory_space<vmem>>, vector<256x10240xf32>
    %get3A_2 = arith.constant 0 : index
    %get3A_3 = arith.constant 0 : index
    %get3A_4 = vector.load %arg2[%get3A_2, %get3A_3] : memref<10240x256xf32, #tpu.memory_space<vmem>>, vector<10240x256xf32>
    %dot_general3A = arith.constant dense<0.000000e+00> : vector<256x256xf32>
    %dot_general3A_5 = tpu.matmul %get3A_1, %get3A_4, %dot_general3A {dimension_numbers = #tpu.dot_dimension_numbers<[1], [0], [0], [1], [0, 0, 1, 1], [], []>, precision = #tpu.contract_precision<fp32>, transpose_lhs_hint = false} : vector<256x10240xf32>, vector<10240x256xf32>, vector<256x256xf32> -> vector<256x256xf32>
    %swap3A = arith.constant 0 : index
    %swap3A_6 = arith.constant 0 : index
    %swap3A_7 = vector.load %arg7[%swap3A, %swap3A_6] : memref<256x256xf32, #tpu.memory_space<vmem>>, vector<256x256xf32>
    tpu.vector_store %arg7[%swap3A, %swap3A_6], %dot_general3A_5 {strides = array<i32>} : memref<256x256xf32, #tpu.memory_space<vmem>>, vector<256x256xf32>,
    %get3A_8 = arith.constant 0 : index
    %get3A_9 = arith.constant 0 : index
    %get3A_10 = vector.load %arg5[%get3A_8, %get3A_9] : memref<256x512xf32, #tpu.memory_space<vmem>>, vector<256x512xf32>
    %get3A_11 = arith.constant 0 : index
    %get3A_12 = arith.constant 0 : index
    %get3A_13 = vector.load %arg4[%get3A_11, %get3A_12] : memref<256x512xf32, #tpu.memory_space<vmem>>, vector<256x512xf32>
    %dot_general3A_14 = arith.constant dense<0.000000e+00> : vector<256x512xf32>
    %dot_general3A_15 = tpu.matmul %dot_general3A_5, %get3A_13, %dot_general3A_14 {dimension_numbers = #tpu.dot_dimension_numbers<[1], [0], [0], [1], [0, 0, 1, 1], [], []>, precision = #tpu.contract_precision<fp32>, transpose_lhs_hint = false} : vector<256x256xf32>, vector<256x512xf32>, vector<256x512xf32> -> vector<256x512xf32>
    %add3A = arith.addf %get3A_10, %dot_general3A_15 : vector<256x512xf32>
    %swap3A_16 = arith.constant 0 : index
    %swap3A_17 = arith.constant 0 : index
    %swap3A_18 = vector.load %arg8[%swap3A_16, %swap3A_17] : memref<256x512xf32, #tpu.memory_space<vmem>>, vector<256x512xf32>
    tpu.vector_store %arg8[%swap3A_16, %swap3A_17], %add3A {strides = array<i32>} : memref<256x512xf32, #tpu.memory_space<vmem>>, vector<256x512xf32>,
    return
  }
  func.func @transform_0(%arg0: i32) -> (i32, i32) {
    %c0_i32 = arith.constant 0 : i32
    %c0_i32_0 = arith.constant 0 : i32
    return %arg0, %c0_i32 : i32, i32
  }
  func.func @transform_1(%arg0: i32) -> (i32, i32) {
    %c0_i32 = arith.constant 0 : i32
    %c0_i32_0 = arith.constant 0 : i32
    %c0_i32_1 = arith.constant 0 : i32
    return %c0_i32, %c0_i32_0 : i32, i32
  }
  func.func @transform_2(%arg0: i32) -> (i32, i32) {
    %c0_i32 = arith.constant 0 : i32
    %c0_i32_0 = arith.constant 0 : i32
    return %arg0, %c0_i32 : i32, i32
  }
  func.func @transform_3(%arg0: i32) -> (i32, i32) {
    %c0_i32 = arith.constant 0 : i32
    %c0_i32_0 = arith.constant 0 : i32
    %c0_i32_1 = arith.constant 0 : i32
    return %c0_i32, %c0_i32_0 : i32, i32
  }
  func.func @transform_4(%arg0: i32) -> (i32, i32) {
    %c0_i32 = arith.constant 0 : i32
    %c0_i32_0 = arith.constant 0 : i32
    return %arg0, %c0_i32 : i32, i32
  }
  func.func @transform_5(%arg0: i32) -> (i32, i32) {
    %c0_i32 = arith.constant 0 : i32
    %c0_i32_0 = arith.constant 0 : i32
    %c0_i32_1 = arith.constant 0 : i32
    return %c0_i32, %c0_i32_0 : i32, i32
  }
  func.func @transform_6(%arg0: i32) -> (i32, i32) {
    %c0_i32 = arith.constant 0 : i32
    %c0_i32_0 = arith.constant 0 : i32
    return %arg0, %c0_i32 : i32, i32
  }
  func.func @transform_7(%arg0: i32) -> (i32, i32) {
    %c0_i32 = arith.constant 0 : i32
    %c0_i32_0 = arith.constant 0 : i32
    return %arg0, %c0_i32 : i32, i32
  }
}

module attributes {stable_mosaic.version = 14 : i64} {
  func.func @_prop_kernel(%arg0: i32, %arg1: memref<256x10240xf32, #tpu.memory_space<vmem>>, %arg2: memref<10240x256xf32, #tpu.memory_space<vmem>>, %arg3: memref<256x256xf32, #tpu.memory_space<vmem>>, %arg4: memref<256x512xf32, #tpu.memory_space<vmem>>, %arg5: memref<256x512xf32, #tpu.memory_space<vmem>>, %arg6: memref<8x512xf32, #tpu.memory_space<vmem>>, %arg7: memref<256x256xf32, #tpu.memory_space<vmem>>, %arg8: memref<256x512xf32, #tpu.memory_space<vmem>>) attributes {dimension_semantics = [#tpu.dimension_semantics<arbitrary>], iteration_bounds = array<i64: 40>, scalar_prefetch = 0 : i64, scratch_operands = 0 : i64, tpu.core_type = #tpu.core_type<tc>, window_params = [{transform_indices = @transform_0, window_bounds = array<i64: 256, 10240>}, {pipeline_mode = #tpu.pipeline_mode<synchronous>, transform_indices = @transform_1, window_bounds = array<i64: 10240, 256>}, {transform_indices = @transform_2, window_bounds = array<i64: 256, 256>}, {pipeline_mode = #tpu.pipeline_mode<synchronous>, transform_indices = @transform_3, window_bounds = array<i64: 256, 512>}, {transform_indices = @transform_4, window_bounds = array<i64: 256, 512>}, {pipeline_mode = #tpu.pipeline_mode<synchronous>, transform_indices = @transform_5, window_bounds = array<i64: 8, 512>}, {transform_indices = @transform_6, window_bounds = array<i64: 256, 256>}, {transform_indices = @transform_7, window_bounds = array<i64: 256, 512>}]} {
    %get3A = arith.constant 0 : index
    %get3A_0 = arith.constant 0 : index
    %get3A_1 = vector.load %arg1[%get3A, %get3A_0] : memref<256x10240xf32, #tpu.memory_space<vmem>>, vector<256x10240xf32>
    %get3A_2 = arith.constant 0 : index
    %get3A_3 = arith.constant 0 : index
    %get3A_4 = vector.load %arg2[%get3A_2, %get3A_3] : memref<10240x256xf32, #tpu.memory_space<vmem>>, vector<10240x256xf32>
    %dot_general3A = arith.constant dense<0.000000e+00> : vector<256x256xf32>
    %dot_general3A_5 = tpu.matmul %get3A_1, %get3A_4, %dot_general3A {dimension_numbers = #tpu.dot_dimension_numbers<[1], [0], [0], [1], [0, 0, 1, 1], [], []>, precision = #tpu.contract_precision<fp32>, transpose_lhs_hint = false} : vector<256x10240xf32>, vector<10240x256xf32>, vector<256x256xf32> -> vector<256x256xf32>
    %mul3A = arith.constant 2.000000e+00 : f32
    %mul3A_6 = vector.broadcast %mul3A : f32 to vector<256x256xf32>
    %mul3A_7 = arith.mulf %mul3A_6, %dot_general3A_5 : vector<256x256xf32>
    %get3A_8 = arith.constant 0 : index
    %get3A_9 = arith.constant 0 : index
    %get3A_10 = vector.load %arg3[%get3A_8, %get3A_9] : memref<256x256xf32, #tpu.memory_space<vmem>>, vector<256x256xf32>
    %sub3A = arith.subf %mul3A_7, %get3A_10 : vector<256x256xf32>
    %swap3A = arith.constant 0 : index
    %swap3A_11 = arith.constant 0 : index
    %swap3A_12 = vector.load %arg7[%swap3A, %swap3A_11] : memref<256x256xf32, #tpu.memory_space<vmem>>, vector<256x256xf32>
    tpu.vector_store %arg7[%swap3A, %swap3A_11], %sub3A {strides = array<i32>} : memref<256x256xf32, #tpu.memory_space<vmem>>, vector<256x256xf32>,
    %get3A_13 = arith.constant 0 : index
    %get3A_14 = arith.constant 0 : index
    %get3A_15 = vector.load %arg5[%get3A_13, %get3A_14] : memref<256x512xf32, #tpu.memory_space<vmem>>, vector<256x512xf32>
    %get3A_16 = arith.constant 0 : index
    %get3A_17 = arith.constant 0 : index
    %get3A_18 = vector.load %arg4[%get3A_16, %get3A_17] : memref<256x512xf32, #tpu.memory_space<vmem>>, vector<256x512xf32>
    %dot_general3A_19 = arith.constant dense<0.000000e+00> : vector<256x512xf32>
    %dot_general3A_20 = tpu.matmul %sub3A, %get3A_18, %dot_general3A_19 {dimension_numbers = #tpu.dot_dimension_numbers<[1], [0], [0], [1], [0, 0, 1, 1], [], []>, precision = #tpu.contract_precision<fp32>, transpose_lhs_hint = false} : vector<256x256xf32>, vector<256x512xf32>, vector<256x512xf32> -> vector<256x512xf32>
    %add3A = arith.addf %get3A_15, %dot_general3A_20 : vector<256x512xf32>
    %swap3A_21 = arith.constant 0 : index
    %swap3A_22 = arith.constant 0 : index
    %swap3A_23 = vector.load %arg8[%swap3A_21, %swap3A_22] : memref<256x512xf32, #tpu.memory_space<vmem>>, vector<256x512xf32>
    tpu.vector_store %arg8[%swap3A_21, %swap3A_22], %add3A {strides = array<i32>} : memref<256x512xf32, #tpu.memory_space<vmem>>, vector<256x512xf32>,
    return
  }
  func.func @transform_0(%arg0: i32) -> (i32, i32) {
    %c0_i32 = arith.constant 0 : i32
    %c0_i32_0 = arith.constant 0 : i32
    return %arg0, %c0_i32 : i32, i32
  }
  func.func @transform_1(%arg0: i32) -> (i32, i32) {
    %c0_i32 = arith.constant 0 : i32
    %c0_i32_0 = arith.constant 0 : i32
    %c0_i32_1 = arith.constant 0 : i32
    return %c0_i32, %c0_i32_0 : i32, i32
  }
  func.func @transform_2(%arg0: i32) -> (i32, i32) {
    %c0_i32 = arith.constant 0 : i32
    %c0_i32_0 = arith.constant 0 : i32
    return %arg0, %c0_i32 : i32, i32
  }
  func.func @transform_3(%arg0: i32) -> (i32, i32) {
    %c0_i32 = arith.constant 0 : i32
    %c0_i32_0 = arith.constant 0 : i32
    %c0_i32_1 = arith.constant 0 : i32
    return %c0_i32, %c0_i32_0 : i32, i32
  }
  func.func @transform_4(%arg0: i32) -> (i32, i32) {
    %c0_i32 = arith.constant 0 : i32
    %c0_i32_0 = arith.constant 0 : i32
    return %arg0, %c0_i32 : i32, i32
  }
  func.func @transform_5(%arg0: i32) -> (i32, i32) {
    %c0_i32 = arith.constant 0 : i32
    %c0_i32_0 = arith.constant 0 : i32
    %c0_i32_1 = arith.constant 0 : i32
    return %c0_i32, %c0_i32_0 : i32, i32
  }
  func.func @transform_6(%arg0: i32) -> (i32, i32) {
    %c0_i32 = arith.constant 0 : i32
    %c0_i32_0 = arith.constant 0 : i32
    return %arg0, %c0_i32 : i32, i32
  }
  func.func @transform_7(%arg0: i32) -> (i32, i32) {
    %c0_i32 = arith.constant 0 : i32
    %c0_i32_0 = arith.constant 0 : i32
    return %arg0, %c0_i32 : i32, i32
  }
}

module attributes {stable_mosaic.version = 14 : i64} {
  func.func @_prop_kernel(%arg0: i32, %arg1: memref<256x10240xf32, #tpu.memory_space<vmem>>, %arg2: memref<10240x256xf32, #tpu.memory_space<vmem>>, %arg3: memref<256x256xf32, #tpu.memory_space<vmem>>, %arg4: memref<256x512xf32, #tpu.memory_space<vmem>>, %arg5: memref<256x512xf32, #tpu.memory_space<vmem>>, %arg6: memref<8x512xf32, #tpu.memory_space<vmem>>, %arg7: memref<256x256xf32, #tpu.memory_space<vmem>>, %arg8: memref<256x512xf32, #tpu.memory_space<vmem>>) attributes {dimension_semantics = [#tpu.dimension_semantics<arbitrary>], iteration_bounds = array<i64: 40>, scalar_prefetch = 0 : i64, scratch_operands = 0 : i64, tpu.core_type = #tpu.core_type<tc>, window_params = [{transform_indices = @transform_0, window_bounds = array<i64: 256, 10240>}, {pipeline_mode = #tpu.pipeline_mode<synchronous>, transform_indices = @transform_1, window_bounds = array<i64: 10240, 256>}, {transform_indices = @transform_2, window_bounds = array<i64: 256, 256>}, {pipeline_mode = #tpu.pipeline_mode<synchronous>, transform_indices = @transform_3, window_bounds = array<i64: 256, 512>}, {transform_indices = @transform_4, window_bounds = array<i64: 256, 512>}, {pipeline_mode = #tpu.pipeline_mode<synchronous>, transform_indices = @transform_5, window_bounds = array<i64: 8, 512>}, {transform_indices = @transform_6, window_bounds = array<i64: 256, 256>}, {transform_indices = @transform_7, window_bounds = array<i64: 256, 512>}]} {
    %get3A = arith.constant 0 : index
    %get3A_0 = arith.constant 0 : index
    %get3A_1 = vector.load %arg1[%get3A, %get3A_0] : memref<256x10240xf32, #tpu.memory_space<vmem>>, vector<256x10240xf32>
    %get3A_2 = arith.constant 0 : index
    %get3A_3 = arith.constant 0 : index
    %get3A_4 = vector.load %arg2[%get3A_2, %get3A_3] : memref<10240x256xf32, #tpu.memory_space<vmem>>, vector<10240x256xf32>
    %dot_general3A = arith.constant dense<0.000000e+00> : vector<256x256xf32>
    %dot_general3A_5 = tpu.matmul %get3A_1, %get3A_4, %dot_general3A {dimension_numbers = #tpu.dot_dimension_numbers<[1], [0], [0], [1], [0, 0, 1, 1], [], []>, precision = #tpu.contract_precision<fp32>, transpose_lhs_hint = false} : vector<256x10240xf32>, vector<10240x256xf32>, vector<256x256xf32> -> vector<256x256xf32>
    %mul3A = arith.constant 2.000000e+00 : f32
    %mul3A_6 = vector.broadcast %mul3A : f32 to vector<256x256xf32>
    %mul3A_7 = arith.mulf %mul3A_6, %dot_general3A_5 : vector<256x256xf32>
    %get3A_8 = arith.constant 0 : index
    %get3A_9 = arith.constant 0 : index
    %get3A_10 = vector.load %arg3[%get3A_8, %get3A_9] : memref<256x256xf32, #tpu.memory_space<vmem>>, vector<256x256xf32>
    %sub3A = arith.subf %mul3A_7, %get3A_10 : vector<256x256xf32>
    %swap3A = arith.constant 0 : index
    %swap3A_11 = arith.constant 0 : index
    %swap3A_12 = vector.load %arg7[%swap3A, %swap3A_11] : memref<256x256xf32, #tpu.memory_space<vmem>>, vector<256x256xf32>
    tpu.vector_store %arg7[%swap3A, %swap3A_11], %sub3A {strides = array<i32>} : memref<256x256xf32, #tpu.memory_space<vmem>>, vector<256x256xf32>,
    %get3A_13 = arith.constant 0 : index
    %get3A_14 = arith.constant 0 : index
    %get3A_15 = vector.load %arg5[%get3A_13, %get3A_14] : memref<256x512xf32, #tpu.memory_space<vmem>>, vector<256x512xf32>
    %get3A_16 = arith.constant 0 : index
    %get3A_17 = arith.constant 0 : index
    %get3A_18 = vector.load %arg4[%get3A_16, %get3A_17] : memref<256x512xf32, #tpu.memory_space<vmem>>, vector<256x512xf32>
    %dot_general3A_19 = arith.constant dense<0.000000e+00> : vector<256x512xf32>
    %dot_general3A_20 = tpu.matmul %sub3A, %get3A_18, %dot_general3A_19 {dimension_numbers = #tpu.dot_dimension_numbers<[1], [0], [0], [1], [0, 0, 1, 1], [], []>, precision = #tpu.contract_precision<fp32>, transpose_lhs_hint = false} : vector<256x256xf32>, vector<256x512xf32>, vector<256x512xf32> -> vector<256x512xf32>
    %add3A = arith.addf %get3A_15, %dot_general3A_20 : vector<256x512xf32>
    %get3A_21 = arith.constant 0 : index
    %get3A_22 = arith.constant 0 : index
    %get3A_23 = vector.load %arg6[%get3A_21, %get3A_22] : memref<8x512xf32, #tpu.memory_space<vmem>>, vector<1x512xf32>
    %add3A_24 = vector.broadcast %get3A_23 : vector<1x512xf32> to vector<256x512xf32>
    %add3A_25 = arith.addf %add3A, %add3A_24 : vector<256x512xf32>
    %max3A = arith.constant 0.000000e+00 : f32
    %max3A_26 = vector.broadcast %max3A : f32 to vector<256x512xf32>
    %max3A_27 = arith.maximumf %add3A_25, %max3A_26 : vector<256x512xf32>
    %swap3A_28 = arith.constant 0 : index
    %swap3A_29 = arith.constant 0 : index
    %swap3A_30 = vector.load %arg8[%swap3A_28, %swap3A_29] : memref<256x512xf32, #tpu.memory_space<vmem>>, vector<256x512xf32>
    tpu.vector_store %arg8[%swap3A_28, %swap3A_29], %max3A_27 {strides = array<i32>} : memref<256x512xf32, #tpu.memory_space<vmem>>, vector<256x512xf32>,
    return
  }
  func.func @transform_0(%arg0: i32) -> (i32, i32) {
    %c0_i32 = arith.constant 0 : i32
    %c0_i32_0 = arith.constant 0 : i32
    return %arg0, %c0_i32 : i32, i32
  }
  func.func @transform_1(%arg0: i32) -> (i32, i32) {
    %c0_i32 = arith.constant 0 : i32
    %c0_i32_0 = arith.constant 0 : i32
    %c0_i32_1 = arith.constant 0 : i32
    return %c0_i32, %c0_i32_0 : i32, i32
  }
  func.func @transform_2(%arg0: i32) -> (i32, i32) {
    %c0_i32 = arith.constant 0 : i32
    %c0_i32_0 = arith.constant 0 : i32
    return %arg0, %c0_i32 : i32, i32
  }
  func.func @transform_3(%arg0: i32) -> (i32, i32) {
    %c0_i32 = arith.constant 0 : i32
    %c0_i32_0 = arith.constant 0 : i32
    %c0_i32_1 = arith.constant 0 : i32
    return %c0_i32, %c0_i32_0 : i32, i32
  }
  func.func @transform_4(%arg0: i32) -> (i32, i32) {
    %c0_i32 = arith.constant 0 : i32
    %c0_i32_0 = arith.constant 0 : i32
    return %arg0, %c0_i32 : i32, i32
  }
  func.func @transform_5(%arg0: i32) -> (i32, i32) {
    %c0_i32 = arith.constant 0 : i32
    %c0_i32_0 = arith.constant 0 : i32
    %c0_i32_1 = arith.constant 0 : i32
    return %c0_i32, %c0_i32_0 : i32, i32
  }
  func.func @transform_6(%arg0: i32) -> (i32, i32) {
    %c0_i32 = arith.constant 0 : i32
    %c0_i32_0 = arith.constant 0 : i32
    return %arg0, %c0_i32 : i32, i32
  }
  func.func @transform_7(%arg0: i32) -> (i32, i32) {
    %c0_i32 = arith.constant 0 : i32
    %c0_i32_0 = arith.constant 0 : i32
    return %arg0, %c0_i32 : i32, i32
  }
}

module attributes {stable_mosaic.version = 14 : i64} {
  func.func @_fc_kernel(%arg0: i32, %arg1: memref<8x1024xf32, #tpu.memory_space<vmem>>, %arg2: memref<1024x512xf32, #tpu.memory_space<vmem>>, %arg3: memref<8x512xf32, #tpu.memory_space<vmem>>, %arg4: memref<512x128xf32, #tpu.memory_space<vmem>>, %arg5: memref<8x128xf32, #tpu.memory_space<vmem>>, %arg6: memref<8x128xf32, #tpu.memory_space<vmem>>, %arg7: memref<8x512xf32, #tpu.memory_space<vmem>>) attributes {dimension_semantics = [#tpu.dimension_semantics<arbitrary>], iteration_bounds = array<i64: 625>, scalar_prefetch = 0 : i64, scratch_operands = 1 : i64, tpu.core_type = #tpu.core_type<tc>, window_params = [{transform_indices = @transform_0, window_bounds = array<i64: 8, 1024>}, {transform_indices = @transform_1, window_bounds = array<i64: 1024, 512>}, {pipeline_mode = #tpu.pipeline_mode<synchronous>, transform_indices = @transform_2, window_bounds = array<i64: 8, 512>}, {pipeline_mode = #tpu.pipeline_mode<synchronous>, transform_indices = @transform_3, window_bounds = array<i64: 512, 128>}, {pipeline_mode = #tpu.pipeline_mode<synchronous>, transform_indices = @transform_4, window_bounds = array<i64: 8, 128>}, {pipeline_mode = #tpu.pipeline_mode<synchronous>, transform_indices = @transform_5, window_bounds = array<i64: 8, 128>}]} {
    %eq3A = arith.constant 0 : i32
    %eq3A_0 = arith.cmpi eq, %arg0, %eq3A : i32
    %convert_element_type3A = arith.extui %eq3A_0 : i1 to i32
    %cond3A = arith.constant 0 : i32
    %cond3A_1 = arith.cmpi ne, %convert_element_type3A, %cond3A : i32
    scf.if %cond3A_1 {
      %broadcast_in_dim3A = arith.constant 0.000000e+00 : f32
      %broadcast_in_dim3A_18 = vector.broadcast %broadcast_in_dim3A : f32 to vector<8x512xf32>
      %swap3A_19 = arith.constant 0 : index
      %swap3A_20 = arith.constant 0 : index
      %swap3A_21 = vector.load %arg7[%swap3A_19, %swap3A_20] : memref<8x512xf32, #tpu.memory_space<vmem>>, vector<8x512xf32>
      tpu.vector_store %arg7[%swap3A_19, %swap3A_20], %broadcast_in_dim3A_18 {strides = array<i32>} : memref<8x512xf32, #tpu.memory_space<vmem>>, vector<8x512xf32>,
    } else {
    }
    %get3A = arith.constant 0 : index
    %get3A_2 = arith.constant 0 : index
    %get3A_3 = vector.load %arg7[%get3A, %get3A_2] : memref<8x512xf32, #tpu.memory_space<vmem>>, vector<8x512xf32>
    %get3A_4 = arith.constant 0 : index
    %get3A_5 = arith.constant 0 : index
    %get3A_6 = vector.load %arg1[%get3A_4, %get3A_5] : memref<8x1024xf32, #tpu.memory_space<vmem>>, vector<8x1024xf32>
    %get3A_7 = arith.constant 0 : index
    %get3A_8 = arith.constant 0 : index
    %get3A_9 = vector.load %arg2[%get3A_7, %get3A_8] : memref<1024x512xf32, #tpu.memory_space<vmem>>, vector<1024x512xf32>
    %dot_general3A = arith.constant dense<0.000000e+00> : vector<8x512xf32>
    %dot_general3A_10 = tpu.matmul %get3A_6, %get3A_9, %dot_general3A {dimension_numbers = #tpu.dot_dimension_numbers<[1], [0], [0], [1], [0, 0, 1, 1], [], []>, precision = #tpu.contract_precision<fp32>, transpose_lhs_hint = false} : vector<8x1024xf32>, vector<1024x512xf32>, vector<8x512xf32> -> vector<8x512xf32>
    %add3A = arith.addf %get3A_3, %dot_general3A_10 : vector<8x512xf32>
    %swap3A = arith.constant 0 : index
    %swap3A_11 = arith.constant 0 : index
    %swap3A_12 = vector.load %arg7[%swap3A, %swap3A_11] : memref<8x512xf32, #tpu.memory_space<vmem>>, vector<8x512xf32>
    tpu.vector_store %arg7[%swap3A, %swap3A_11], %add3A {strides = array<i32>} : memref<8x512xf32, #tpu.memory_space<vmem>>, vector<8x512xf32>,
    %eq3A_13 = arith.constant 624 : i32
    %eq3A_14 = arith.cmpi eq, %arg0, %eq3A_13 : i32
    %convert_element_type3A_15 = arith.extui %eq3A_14 : i1 to i32
    %cond3A_16 = arith.constant 0 : i32
    %cond3A_17 = arith.cmpi ne, %convert_element_type3A_15, %cond3A_16 : i32
    scf.if %cond3A_17 {
      %get3A_18 = arith.constant 0 : index
      %get3A_19 = arith.constant 0 : index
      %get3A_20 = vector.load %arg7[%get3A_18, %get3A_19] : memref<8x512xf32, #tpu.memory_space<vmem>>, vector<8x512xf32>
      %get3A_21 = arith.constant 0 : index
      %get3A_22 = arith.constant 0 : index
      %get3A_23 = vector.load %arg3[%get3A_21, %get3A_22] : memref<8x512xf32, #tpu.memory_space<vmem>>, vector<8x512xf32>
      %add3A_24 = arith.addf %get3A_20, %get3A_23 : vector<8x512xf32>
      %get3A_25 = arith.constant 0 : index
      %get3A_26 = arith.constant 0 : index
      %get3A_27 = vector.load %arg4[%get3A_25, %get3A_26] : memref<512x128xf32, #tpu.memory_space<vmem>>, vector<512x128xf32>
      %dot_general3A_28 = arith.constant dense<0.000000e+00> : vector<8x128xf32>
      %dot_general3A_29 = tpu.matmul %add3A_24, %get3A_27, %dot_general3A_28 {dimension_numbers = #tpu.dot_dimension_numbers<[1], [0], [0], [1], [0, 0, 1, 1], [], []>, precision = #tpu.contract_precision<fp32>, transpose_lhs_hint = false} : vector<8x512xf32>, vector<512x128xf32>, vector<8x128xf32> -> vector<8x128xf32>
      %get3A_30 = arith.constant 0 : index
      %get3A_31 = arith.constant 0 : index
      %get3A_32 = vector.load %arg5[%get3A_30, %get3A_31] : memref<8x128xf32, #tpu.memory_space<vmem>>, vector<8x128xf32>
      %add3A_33 = arith.addf %dot_general3A_29, %get3A_32 : vector<8x128xf32>
      %reduce_max3A = arith.constant dense<0xFF800000> : vector<8xf32>
      %reduce_max3A_34 = vector.multi_reduction <maximumf>, %add3A_33, %reduce_max3A [1] : vector<8x128xf32> to vector<8xf32>
      %broadcast_in_dim3A = vector.shape_cast %reduce_max3A_34 : vector<8xf32> to vector<8x1xf32>
      %sub3A = vector.broadcast %broadcast_in_dim3A : vector<8x1xf32> to vector<8x128xf32>
      %sub3A_35 = arith.subf %add3A_33, %sub3A : vector<8x128xf32>
      %exp3A = math.exp %sub3A_35 : vector<8x128xf32>
      %reduce_sum3A = arith.constant dense<0.000000e+00> : vector<8xf32>
      %reduce_sum3A_36 = vector.multi_reduction <add>, %exp3A, %reduce_sum3A [1] : vector<8x128xf32> to vector<8xf32>
      %broadcast_in_dim3A_37 = vector.shape_cast %reduce_sum3A_36 : vector<8xf32> to vector<8x1xf32>
      %log3A = math.log %broadcast_in_dim3A_37 : vector<8x1xf32>
      %add3A_38 = arith.addf %log3A, %broadcast_in_dim3A : vector<8x1xf32>
      %sub3A_39 = vector.broadcast %add3A_38 : vector<8x1xf32> to vector<8x128xf32>
      %sub3A_40 = arith.subf %add3A_33, %sub3A_39 : vector<8x128xf32>
      %swap3A_41 = arith.constant 0 : index
      %swap3A_42 = arith.constant 0 : index
      %swap3A_43 = vector.load %arg6[%swap3A_41, %swap3A_42] : memref<8x128xf32, #tpu.memory_space<vmem>>, vector<8x128xf32>
      tpu.vector_store %arg6[%swap3A_41, %swap3A_42], %sub3A_40 {strides = array<i32>} : memref<8x128xf32, #tpu.memory_space<vmem>>, vector<8x128xf32>,
    } else {
    }
    return
  }
  func.func @transform_0(%arg0: i32) -> (i32, i32) {
    %c0_i32 = arith.constant 0 : i32
    %c0_i32_0 = arith.constant 0 : i32
    return %c0_i32, %arg0 : i32, i32
  }
  func.func @transform_1(%arg0: i32) -> (i32, i32) {
    %c0_i32 = arith.constant 0 : i32
    %c0_i32_0 = arith.constant 0 : i32
    return %arg0, %c0_i32 : i32, i32
  }
  func.func @transform_2(%arg0: i32) -> (i32, i32) {
    %c0_i32 = arith.constant 0 : i32
    %c0_i32_0 = arith.constant 0 : i32
    %c0_i32_1 = arith.constant 0 : i32
    return %c0_i32, %c0_i32_0 : i32, i32
  }
  func.func @transform_3(%arg0: i32) -> (i32, i32) {
    %c0_i32 = arith.constant 0 : i32
    %c0_i32_0 = arith.constant 0 : i32
    %c0_i32_1 = arith.constant 0 : i32
    return %c0_i32, %c0_i32_0 : i32, i32
  }
  func.func @transform_4(%arg0: i32) -> (i32, i32) {
    %c0_i32 = arith.constant 0 : i32
    %c0_i32_0 = arith.constant 0 : i32
    %c0_i32_1 = arith.constant 0 : i32
    return %c0_i32, %c0_i32_0 : i32, i32
  }
  func.func @transform_5(%arg0: i32) -> (i32, i32) {
    %c0_i32 = arith.constant 0 : i32
    %c0_i32_0 = arith.constant 0 : i32
    %c0_i32_1 = arith.constant 0 : i32
    return %c0_i32, %c0_i32_0 : i32, i32
  }
}

</mosaic_0001>

<sc_bundles>
// kernel: scatter_offload_async_start.1
scs
__scs_entry_jumppad:
0x0: {  	(pc) =	sbr.rel $0x88, $3  }
0x1: {  	(tag) =	ssettag $0x0;
	lr =	simm.s32 $0x1  }
0x2: {  	[smem:$0x3F97] =	sst lr;
	_ =	strace $0xD0000000  }
0x3: {  	_ = 	snop  }
0x4: {  	_ = 	snop  }
0x5: {  	_ = 	snop  }
0x6: {  	_ = 	snop  }
0x7: {  	_ = 	snop  }
__scs_overlays_trampoline_lowered:
0x8: {  	[smem:$0x3FA6] =	sst s0  }
0x9: {  	[smem:$0x3FA7] =	sst s1  }
0xa: {  	[smem:$0x3FA8] =	sst s2  }
0xb: {  	[smem:$0x3FA9] =	sst s3  }
0xc: {  	[smem:$0x3FAA] =	sst s4  }
0xd: {  	[smem:$0x3FAB] =	sst s5  }
0xe: {  	[smem:$0x3FAC] =	sst s6  }
0xf: {  	[smem:$0x3FAD] =	sst s7  }
0x10: {  	[smem:$0x3FAE] =	sst s8  }
0x11: {  	[smem:$0x3FAF] =	sst s9;
	s0 =	simm.s32 @!p0 $0x0  }
0x12: {  	s1 =	sld [smem:$0x3F95];
	s0 =	simm.s32 @p0 $0x1  }
0x13: {  	[smem:$0x3FB0] =	sst s0;
	s0 =	simm.s32 @!p1 $0x0  }
0x14: {  	s2 =	sld [smem:$0x3F94];
	s0 =	simm.s32 @p1 $0x1  }
0x15: {  	[smem:$0x3FB1] =	sst s0;
	s0 =	simm.s32 @!p2 $0x0  }
0x16: {  	s3 =	sld [smem:$0x3FDB];
	s0 =	simm.s32 @p2 $0x1  }
0x17: {  	s4 =	simm.s32 $0x1BF5;
	[smem:$0x3FB3] =	sst s0  }
0x18: {  	s0 =	sld [smem:$0x3F96];
	_ =	swait.ge [sflag:s4], $0x0  }
0x19: {  	s7 =	sld [smem:$0x3F97]  }
0x1a: {  	s8 =	sadd.s32 $0xFFFFE003, lr  }
0x1b: {  	s9 =	sadd.s32 $0xFFFFFEF7, lr;
	s5 =	simm.s32 $0xFFFFFFFF;
	p2 =	slt.u32 s8, $0xFFFFF086  }
0x1c: {  	p1 =	slt.u32 s9, $0xF7A;
	s5 =	simm.s32 @!p2 $0x0  }
0x1d: {  	s5 =	simm.s32 @p1 $0x1;
	p0 =	seq.s32 s7, s2  }
0x1e: {  	s7 =	smul.u32 @!p0 $0xF7A, s2;
	p2 =	seq.s32 @!p0 s5, $0x0  }
0x1f: {  	s9 =	smul.u32 $0xF7A, s1;
	s8 =	simm.s32 @!p0 $0x1BF5;
	p2 =	por !p2, p0  }
0x20: {  	[sflag:s8] =	ssyncset.s32 @!p0 $0xFFFFF086;
	s6 =	sadd.s32 @!p0 s3, s7;
	s7 =	simm.s32 @!p0 $0x108  }
0x21: {  	s3 =	sadd.s32 s3, s9;
	s6 =	sadd.s32 @!p0 $0x88, s6;
	s7 =	simm.s32 @p2 $0x1082  }
0x22: {  	[simem:s7], [sflag:s8] =	dma.local @!p0 [hbm:s6], $0xF7A  }
0x23: {  	s9 =	sor.u32 $0xD0000000, s2;
	s6 =	simm.s32 $0x108;
	_ =	swait.ge @!p0 [sflag:s8], $0x0  }
0x24: {  	s3 =	sadd.s32 $0x88, s3;
	s6 =	simm.s32 @!p1 $0x1082;
	[sflag:s4] =	ssyncset.s32 $0xFFFFF086  }
0x25: {  	[simem:s6], [sflag:s4] =	dma.local [hbm:s3], $0xF7A  }
0x26: {  	[smem:$0x3F97] =	sst s1;
	(tag) =	ssettag s2;
	_ =	strace s9  }
0x27: {  	s1 =	sld [smem:$0x3FA7]  }
0x28: {  	s2 =	sld [smem:$0x3FA8]  }
0x29: {  	s4 =	sld [smem:$0x3FAA]  }
0x2a: {  	p0 =	seq.s32 s5, $0x0;
	s5 =	sld [smem:$0x3FAB]  }
0x2b: {  	s6 =	sld [smem:$0x3FAC]  }
0x2c: {  	s7 =	sld [smem:$0x3FAD]  }
0x2d: {  	s3 =	simm.s32 $0x108;
	s8 =	sld [smem:$0x3FAE]  }
0x2e: {  	s3 =	simm.s32 @!p0 $0x1082;
	s9 =	sld [smem:$0x3FAF]  }
0x2f: {  	lr =	sadd.s32 s0, s3;
	s0 =	sld [smem:$0x3FA6]  }
0x30: {  	s3 =	sld [smem:$0x3FA9]  }
0x31: {  	[smem:$0x3FB2] =	sst s10  }
0x32: {  	s10 =	sld [smem:$0x3FB0];
	_ =	sdelay $0x3  }
0x33: {  	p0 =	seq.s32 s10, $0x1;
	s10 =	sld [smem:$0x3FB2];
	_ =	sdelay $0x3  }
0x34: {  	[smem:$0x3FB2] =	sst s10  }
0x35: {  	s10 =	sld [smem:$0x3FB1];
	_ =	sdelay $0x3  }
0x36: {  	p1 =	seq.s32 s10, $0x1;
	s10 =	sld [smem:$0x3FB2];
	_ =	sdelay $0x3  }
0x37: {  	[smem:$0x3FB2] =	sst s10  }
0x38: {  	s10 =	sld [smem:$0x3FB3]  }
0x39: {  	_ = 	snop;
	(pc) =	sbr.ind lr, $3  }
0x3a: {  	_ = 	snop  }
0x3b: {  	_ = 	snop  }
0x3c: {  	p2 =	seq.s32 s10, $0x1;
	s10 =	sld [smem:$0x3FB2]  }
0x3d: {  	_ =	shalt  }
0x3e: {  	_ =	shalt  }
0x3f: {  	_ =	shalt  }
0x40: {  	_ =	shalt  }
0x41: {  	_ =	shalt  }
0x42: {  	_ =	shalt  }
0x43: {  	_ =	shalt  }
0x44: {  	_ =	shalt  }
0x45: {  	_ =	shalt  }
0x46: {  	_ =	shalt  }
0x47: {  	_ =	shalt  }
0x48: {  	_ =	shalt  }
0x49: {  	_ =	shalt  }
0x4a: {  	_ =	shalt  }
0x4b: {  	_ =	shalt  }
0x4c: {  	_ =	shalt  }
0x4d: {  	_ =	shalt  }
0x4e: {  	_ =	shalt  }
0x4f: {  	_ =	shalt  }
0x50: {  	_ =	shalt  }
0x51: {  	_ =	shalt  }
0x52: {  	_ =	shalt  }
0x53: {  	_ =	shalt  }
0x54: {  	_ =	shalt  }
0x55: {  	_ =	shalt  }
0x56: {  	_ =	shalt  }
0x57: {  	_ =	shalt  }
0x58: {  	_ =	shalt  }
0x59: {  	_ =	shalt  }
0x5a: {  	_ =	shalt  }
0x5b: {  	_ =	shalt  }
0x5c: {  	_ =	shalt  }
0x5d: {  	_ =	shalt  }
0x5e: {  	_ =	shalt  }
0x5f: {  	_ =	shalt  }
0x60: {  	_ =	shalt  }
0x61: {  	_ =	shalt  }
0x62: {  	_ =	shalt  }
0x63: {  	_ =	shalt  }
0x64: {  	_ =	shalt  }
0x65: {  	_ =	shalt  }
0x66: {  	_ =	shalt  }
0x67: {  	_ =	shalt  }
0x68: {  	_ =	shalt  }
0x69: {  	_ =	shalt  }
0x6a: {  	_ =	shalt  }
0x6b: {  	_ =	shalt  }
0x6c: {  	_ =	shalt  }
0x6d: {  	_ =	shalt  }
0x6e: {  	_ =	shalt  }
0x6f: {  	_ =	shalt  }
0x70: {  	_ =	shalt  }
0x71: {  	_ =	shalt  }
0x72: {  	_ =	shalt  }
0x73: {  	_ =	shalt  }
0x74: {  	_ =	shalt  }
0x75: {  	_ =	shalt  }
0x76: {  	_ =	shalt  }
0x77: {  	_ =	shalt  }
0x78: {  	_ =	shalt  }
0x79: {  	_ =	shalt  }
0x7a: {  	_ =	shalt  }
0x7b: {  	_ =	shalt  }
0x7c: {  	_ =	shalt  }
0x7d: {  	_ =	shalt  }
0x7e: {  	_ =	shalt  }
0x7f: {  	_ =	shalt  }
0x80: {  	_ =	shalt  }
0x81: {  	_ =	shalt  }
0x82: {  	_ =	shalt  }
0x83: {  	_ =	shalt  }
0x84: {  	_ =	shalt  }
0x85: {  	_ =	shalt  }
0x86: {  	_ =	shalt  }
0x87: {  	_ =	shalt  }
.Lfunc_end0:
.L_simem_size_0:
called_computation.1_lowered:
.L_overlay_start_0:
0x88: {  	s0 =	sld [smem:$0x3FD9]  }
0x89: {  	s1 =	sld [smem:$0x3FFE];
	_ =	sdelay $0x3  }
0x8a: {  	s0 =	sadd.s32 s1, s0  }
0x8b: {  	[smem:$0x3FBE] =	sst s0  }
0x8c: {  	_ = 	snop  }
0x8d: {  	(tm) =	ssettm $0x1  }
0x8e: {  	s15 =	sld [smem:$0x3FFB];
	_ =	sdelay $0x3  }
0x8f: {  	_ =	strace s15  }
0x90: {  	s0 =	sld [smem:$0x3FFC];
	_ =	sdelay $0x3  }
0x91: {  	_ =	strace s0  }
0x92: {  	s0 =	sld [smem:$0x3FFD];
	_ =	sdelay $0x3  }
0x93: {  	_ =	strace s0  }
0x94: {  	_ =	strace $0x8FFFFFFF  }
0x95: {  	s16 =	sld [smem:$0x3FDB];
	_ =	sdelay $0x1  }
0x96: {  	s17 =	simm.s32 $_scs_section_size  }
0x97: {  	s2 =	simm.s32 $_size__tile_overlayer_lowered;
	s3 =	simm.s32 $_tile_overlayer_lowered  }
0x98: {  	s20 =	simm.s32 $0x1BFF;
	s19 =	sshll.u32 s3, $0x1;
	s0 =	sadd.s32 s17, s16  }
0x99: {  	s4 =	simm.s32 $0x0;
	s18 =	sshll.u32 s2, $0x1;
	s2 =	sadd.s32 s19, s0  }
0x9a: {  	[timem:s4], [sflag:s20] =	dma.local [hbm:s2], s18  }
0x9b: {  	_ =	swait.ge [sflag:s20], s18  }
0x9c: {  	s1 =	ssub.s32 $0x0, s18;
	[sflag:s20] =	ssyncset.done $0x0  }
0x9d: {  	[sflag:s20] =	ssyncadd.s32 s1;
	_ =	sdelay $0x1  }
0x9e: {  	s21 =	simm.s32 $0x1B8B  }
0x9f: {  	_ =	swait.ge [sflag:s21], $0x1  }
0xa0: {  	[sflag:s21] =	ssyncset.done $0x0  }
0xa1: {  	s23 =	simm.s32 $0x1B8E;
	s22 =	sld [smem:$0x3FFE];
	[sflag:s21] =	ssyncadd.s32 $0xFFFFFFFF  }
0xa2: {  	s24 =	simm.s32 $execute0_lowered;
	[smem:$0x3FD2] =	sst s23  }
0xa3: {  	s2 =	sshll.u32 s24, $0x1;
	_ =	strace $0x80000049;
	[dreg:$0x1] =	wrdreg $0xFFFFFFFF  }
0xa4: {  	s25 =	simm.s32 $_size_execute0_lowered;
	s0 =	sadd.s32 s0, s2;
	[dreg:$0x0] =	wrdreg $0x0  }
0xa5: {  	s2 =	sshll.u32 s25, $0x1;
	[dreg:$0x2] =	wrdreg s0  }
0xa6: {  	[dreg:$0x3] =	wrdreg s2  }
0xa7: {  	[dreg:$0x4] =	wrdreg $0xC0  }
0xa8: {  	_ =	task [dreg:s4], $0x5FFFF  }
0xa9: {  	[dreg:$0x1] =	wrdreg $0xFFFFFFFF  }
0xaa: {  	[dreg:$0x0] =	wrdreg $0x60  }
0xab: {  	[dreg:$0x2] =	wrdreg s22  }
0xac: {  	[dreg:$0x3] =	wrdreg $0x9  }
0xad: {  	_ =	task.clear_ibuf [dreg:s4], $0x4FFFF;
	_ =	strace $0x90000049  }
0xae: {  	s26 =	simm.s32 $0x9;
	_ =	strace $0x8000004B  }
0xaf: {  	_ =	swait.ge [sflag:s26], $0x1  }
0xb0: {  	[sflag:s26] =	ssyncadd.s32 $0xFFFFFFFF  }
0xb1: {  	_ =	strace $0x9000004B  }
0xb2: {  	_ =	sfence  }
0xb3: {  	s28 =	sld [smem:$0x0];
	_ =	sdelay $0x1  }
0xb4: {  	s29 =	srdreg.scid  }
0xb5: {  	s30 =	sshll.u32 s29, $0xD;
	s31 =	sshrl.u32 s29, $0x2  }
0xb6: {  	s1 =	sand.u32 $0x1, s29;
	s2 =	sand.u32 $0x4000, s30;
	s0 =	sadd.s32 s31, s28  }
0xb7: {  	s1 =	sor.u32 s2, s1;
	s0 =	sshll.u32 s0, $0x11  }
0xb8: {  	s0 =	sor.u32 s0, s1  }
0xb9: {  	s0 =	sadd.s32 $0x8F2B, s0  }
0xba: {  	[sflag:s0] =	ssyncadd.remote.s32 $0x1  }
0xbb: {  	_ =	sfence.sel $0xFFFF  }
0xbc: {  	[dreg:$0x0] =	wrdreg $0xFFFFFFFF;
	(pc) =	sbr.abs _section_cstart, $3  }
0xbd: {  	[dreg:$0x1] =	wrdreg $0xFFFFFFFF  }
0xbe: {  	_ =	task.clear_ibuf [dreg:s4], $0x2FFFF;
	_ =	strace $0x9FFFFFFF  }
0xbf: {  	(tm) =	ssettm $0x7FFFFFFF  }
tec
execute0_lowered:
.L_overlay_start_1:
0x0: {  	(tag) =	ssettag $0x1  }
0x1: {  	s0 =	rddreg [dreg:$0x0];
	_ =	strace $0x8000004A;
	s15 =	stileid.u32  }
0x2: {  	s2 =	simm.s32 $0x1;
	s1 =	smin.u32 s15, $0x8;
	s3 =	sshll.u32 s15, $0x1  }
0x3: {  	v1 =	vimm.s32 $0xFFFFFFFF;
	[sflag:s2] =	ssyncpa.u1 $0x0;
	s1 =	sadd.s32 s1, s3  }
0x4: {  	p0 =	slt.u32 s15, $0x8;
	[tilespmem:$0x10] =	vst v1;
	s4 =	smul.u32 $0x1F40, s1;
	s1 =	simm.s32 $0x5DC0  }
0x5: {  	v0 =	vimm.f32 $0.0e+00;
	[tilespmem:$0x20] =	vst v1;
	s1 =	simm.s32 @!p0 $0x3E80  }
0x6: {  	[tilespmem:$0x30] =	vst v0;
	s1 =	sadd.s32 s1, s4  }
0x7: {  	[tilespmem:$0x40] =	vst v0;
	s5 =	smin.u32 s1, $0x4E200  }
0x8: {  	s7 =	simm.s32 $0x2;
	s8 =	simm.s32 $0x8;
	[tilespmem:$0x50] =	vst v0;
	s9 =	ssub.s32 s5, s4  }
0x9: {  	s31 =	simm.s32 $0x9;
	s16 =	simm.s32 $0x0;
	[tilespmem:$0x60] =	vst v1;
	p0 =	sgt.s32 s9, $0x0  }
0xa: {  	s17 =	simm.s32 $0xF0;
	s18 =	simm.s32 $0xFFFFFFFF;
	[tilespmem:$0x70] =	vst v1;
	s9 =	simm.s32 @!p0 $0x0  }
0xb: {  	s19 =	simm.s32 $0xFFFFC280;
	s20 =	simm.s32 $0xFFFFFFFE;
	[tilespmem:$0x80] =	vst v1;
	s30 =	smulhi.u32 $0x10624DD3, s9  }
0xc: {  	s21 =	simm.s32 $0xF;
	s25 =	simm.s32 $0x0;
	s24 =	simm.s32 $0x0;
	v1 =	vimm.s32 $0x0;
	[tilespmem:$0xB0] =	vst v0  }
0xd: {  	s6 =	sadd.s32 $0x17FE00, s0;
	s15 =	sshllo.u32 s15, $0x1;
	[tilespmem:$0x90] =	vst v1;
	s10 =	sshrl.u32 s30, $0x9  }
0xe: {  	[tilespmem:$0xA0] =	vst v1;
	[sflag:s7] =	ssyncpa.u1 $0x0;
	s7 =	simm.s32 $0x7;
	s11 =	smul.u32 $0x1F40, s10  }
.Ltmp0:
0xf: {  	s13 =	sor.u32 $0x80, s3;
	[sflag:s7] =	ssyncpa.u1 $0x0;
	(pc) =	sbr.rel .LBB2_1-.Ltmp0, $4  }
0x10: {  	s14 =	sor.u32 $0x81, s3;
	[sflag:s8] =	ssyncpa.u1 $0x0;
	p0 =	sne.s32 s9, s11  }
0x11: {  	s23 =	smov.u32 s4;
	s1 =	sadd.s32 $0x1D9C00, s0;
	s2 =	simm.s32 @!p0 $0x0  }
0x12: {  	vm0 =	vmmov $0xffff;
	v2 =	vlaneseq.u32;
	[sflag:s31] =	ssyncpa.u1 $0x0;
	s9 =	sadd.s32 $0xA0A00, s0;
	s10 =	sadd.s32 s2, s10  }
0x13: {  	vm1 =	vmxor vm1, vm1;
	vm2 =	vmmov $0x1;
	vm3 =	vcmask $0x3F3C;
	p0 =	por $0x0, $0x0;
	s11 =	sadd.s32 $0x1, s10;
	s12 =	sadd.s32 $0x2, s10  }
.LBB2_9:
0x14: {  	p1 =	slt.u32 s24, $0x3  }
0x15: {  	s0 =	simm.s32 @!p1 $0x2  }
0x16: {  	_ =	swait.ge @!p1 [sflag:s0], $0x1F40  }
0x17: {  	[sflag:s0] =	ssyncset.done @!p1 $0x0  }
0x18: {  	[sflag:s0] =	ssyncadd.s32 @!p1 $0xFFFFE0C0;
	s0 =	simm.s32 @!p1 $0x9  }
0x19: {  	_ =	swait.ge @!p1 [sflag:s0], $0x10  }
0x1a: {  	[sflag:s0] =	ssyncset.done @!p1 $0x0  }
0x1b: {  	[sflag:s0] =	ssyncadd.s32 @!p1 $0xFFFFFFF0;
	p1 =	sne.s32 s24, s12  }
.Ltmp1:
0x1c: {  	s2 =	sadd.s32 $0x1F40, s23;
	(pc) =	sbr.rel @!p1 .LBB2_10-.Ltmp1, $4  }
0x1d: {  	s22 =	smov.u32 s4;
	s31 =	sadd.s32 $0x1, s24;
	s17 =	sadd.s32 $0x1F40, s17  }
0x1e: {  	s18 =	sadd.s32 $0x1, s18;
	s25 =	smov.u32 s23;
	p2 =	slt.s32 s2, s5  }
0x1f: {  	p0 =	por !p0, !p0;
	s19 =	sadd.s32 $0x1F40, s19;
	s22 =	smov.u32 @p2 s2  }
0x20: {  	s20 =	sadd.s32 $0x1, s20;
	s23 =	smov.u32 s22;
	s24 =	smov.u32 s31  }
.LBB2_1:
0x21: {  	p1 =	sge.u32 s24, s10  }
0x22: {  	s0 =	smulhi.u32 @!p1 $0xAAAAAAAB, s24;
	_ =	sdelay $0x1  }
0x23: {  	s0 =	sshrl.u32 @!p1 s0, $0x1  }
0x24: {  	s0 =	smul.u32 @!p1 $0x3, s0;
	_ =	sdelay $0x1  }
0x25: {  	s0 =	ssub.s32 @!p1 s24, s0  }
0x26: {  	s0 =	smul.u32 @!p1 $0x7D00, s0;
	_ =	sdelay $0x1  }
0x27: {  	s2 =	sshrl.u32 @!p1 s23, $0x3;
	s0 =	sshrl.u32 @!p1 s0, $0x2  }
0x28: {  	s22 =	sand.u32 @!p1 $0x7, s23;
	s2 =	sadd.s32 @!p1 s6, s2;
	s0 =	sadd.s32 @!p1 $0x100, s0  }
0x29: {  	[tilespmem:s0], [sflag:$0x7] =	stream.linear.gather @!p1 [hbm4b:s2+s22], $0x1F40, $0x38;
	[tilespmem:$0x11A60] =	vst v63  }
0x2a: {  	s0 =	sadd.s32 $0xFFFFFFFF, s24  }
0x2b: {  	p1 =	sge.u32 s0, s10  }
.Ltmp2:
0x2c: {  	_ = 	snop;
	(pc) =	sbr.rel @p1 .LBB2_5-.Ltmp2, $1  }
0x2d: {  	_ =	sdelay $0x3  }
0x2e: {  	s2 =	smulhi.u32 $0xAAAAAAAB, s0;
	_ =	sdelay $0x1  }
0x2f: {  	s2 =	sshrl.u32 s2, $0x1  }
0x30: {  	s2 =	smul.u32 $0x3, s2;
	_ =	sdelay $0x1  }
0x31: {  	s2 =	ssub.s32 s0, s2  }
0x32: {  	s2 =	smul.u32 $0x7D00, s2  }
0x33: {  	_ =	swait.ge [sflag:s7], $0x1F40  }
0x34: {  	[sflag:s7] =	ssyncset.done $0x0;
	s2 =	sshrl.u32 s2, $0x2  }
0x35: {  	[sflag:s7] =	ssyncadd.s32 $0xFFFFE0C0;
	(ifvalue) =	ssetifvalue $0xFFFFFFFF;
	v3 =	vld.msk [tilespmem:s2+$0x100 ss:$0x1], $0xffff;
	_ =	sdelay $0x2  }
0x36: {  	s30 =	smulhi.u32 $0xAAAAAAAB, s18;
	p1 =	sne.s32 s24, $0x1  }
0x37: {  	v4 =	vimm.s32 @!p1 $0x0  }
0x38: {  	s2 =	sshrl.u32 s30, $0x1;
	v4 =	vperm.xlane @!p1 v3, v4  }
0x39: {  	s22 =	sshll.u32 s24, $0x4;
	s2 =	smul.u32 $0xFFFE8900, s2;
	vm4 =	vlt.u32 v3, $0x6400000  }
0x3a: {  	s22 =	sand.u32 $0x10, s22;
	v3 =	vnsel vm4, $0xFFFFFFFE, v3;
	vm4 =	vlt.u32 @!p1 v4, $0x6400000  }
0x3b: {  	s2 =	sshra.s32 s2, $0x2;
	[tilespmem:s22+$0x60] =	vst v3;
	v3 =	vnsel @!p1 vm4, $0xFFFFFFFE, v4  }
0x3c: {  	s28 =	sadd.s32 s2, s17;
	[tilespmem:$0x80] =	vst @!p1 v3  }
0x3d: {  	v3 =	vld.msk [tilespmem:s28+$0x0 ss:$0x1], $0xffff;
	_ =	sdelay $0x4  }
0x3e: {  	(xrf1) =	vunique.msk.u32 $0xffff, v3;
	_ =	sdelay $0xd  }
0x3f: {  	v4 =	vimm.s32 $0xFFFFFFFF;
	v5, _, _ =	vpop (xrf1)  }
0x40: {  	vm5 =	vne.s32 v3, v4;
	vm4 =	veq.s32 v5, v2  }
0x41: {  	vm6 =	vlt.u32 v3, $0x6400000;
	vm4 =	vmand vm5, vm4  }
0x42: {  	vm4 =	vmand vm6, vm4  }
0x43: {  	v4 =	vnsel vm4, $0xFFFFFFFF, v3  }
0x44: {  	s31 =	sand.u32 $0x1, s0  }
0x45: {  	s0 =	simm.s32 $0x1F40;
	p1 =	seq.s32 s31, $0x1  }
0x46: {  	s0 =	simm.s32 @!p1 $0x0  }
0x47: {  	s26 =	sadd.s32 $0x7DF0, s0;
	(ifvalue) =	ssetifvalue $0xFFFFFFFF  }
0x48: {  	v3 =	vperm.xlane v3, v1;
	[tilespmem:s26], [sflag:$0x8] =	stream.indirect_vreg.gather [hbm4b:s1+s16], $0x1, v4, vm0, $0x4038;
	v4 =	vnsel vm6, $0xFFFFFFFE, v4;
	[tilespmem:$0x11A60] =	vst v63  }
0x49: {  	s2 =	simm.s32 $0x0;
	s22 =	sadd.s32 $0xFFFFFFF0, s28;
	[tilespmem:s28+$0x0] =	vst v4  }
.LBB2_3:
0x4a: {  	v4 =	vld.msk [tilespmem:s22+$0x0 ss:$0x1], $0xffff;
	s2 =	sadd.s32 $0x10, s2;
	v5 =	vmov v3;
	s28 =	smov.u32 s22  }
0x4b: {  	p1 =	slt.u32 s2, $0x1F30;
	_ =	sdelay $0x4  }
0x4c: {  	v3 =	vperm.xlane v4, v1;
	(xrf1) =	vunique.msk.u32 $0xffff, v4;
	_ =	sdelay $0xd  }
0x4d: {  	v6, _, _ =	vpop (xrf1)  }
0x4e: {  	vm5 =	vne.s32 v4, v5;
	vm4 =	veq.s32 v6, v2  }
0x4f: {  	vm6 =	vlt.u32 v4, $0x6400000;
	vm4 =	vmand vm5, vm4  }
0x50: {  	vm4 =	vmand vm6, vm4  }
0x51: {  	v4 =	vnsel vm4, $0xFFFFFFFF, v4  }
.Ltmp3:
0x52: {  	v5 =	vnsel vm6, $0xFFFFFFFE, v4;
	(pc) =	sbr.rel @p1 .LBB2_3-.Ltmp3, $3  }
0x53: {  	_ =	sdelay $0x1  }
0x54: {  	s22 =	sadd.s32 $0xFFFFFFF0, s22;
	s26 =	sadd.s32 $0xFFFFFFF0, s26;
	(ifvalue) =	ssetifvalue $0xFFFFFFFF  }
0x55: {  	[tilespmem:s26], [sflag:$0x8] =	stream.indirect_vreg.gather [hbm4b:s1+s16], $0x1, v4, vm0, $0x4038;
	[tilespmem:s28+$0x0] =	vst v5  }
0x56: {  	s2 =	sshrl.u32 s25, $0x3  }
0x57: {  	s0 =	sadd.s32 $0x9D40, s0;
	s2 =	sadd.s32 s9, s2  }
0x58: {  	[tilespmem:s0], [sflag:$0x8] =	stream.linear.gather [hbm:s2], $0x1F40, $0x38;
	[tilespmem:$0x11A60] =	vst v63  }
.LBB2_5:
0x59: {  	p1 =	slt.u32 s24, $0x2  }
0x5a: {  	p2 =	sge.u32 @!p1 s24, s12  }
0x5b: {  	p1 =	por p1, p2  }
.Ltmp4:
0x5c: {  	_ = 	snop;
	(pc) =	sbr.rel @p1 .LBB2_9-.Ltmp4, $1  }
0x5d: {  	_ =	sdelay $0x3  }
0x5e: {  	s0 =	sadd.s32 $0xFFFFFFFE, s24  }
0x5f: {  	s2 =	smulhi.u32 $0xAAAAAAAB, s0;
	_ =	sdelay $0x1  }
0x60: {  	s2 =	sshrl.u32 s2, $0x1  }
0x61: {  	s2 =	smul.u32 $0x3, s2;
	_ =	sdelay $0x1  }
0x62: {  	s0 =	ssub.s32 s0, s2  }
0x63: {  	_ =	swait.ge [sflag:s8], $0x3E80;
	s0 =	smul.u32 $0x1F40, s0  }
0x64: {  	p1 =	sne.s32 s24, s11;
	[sflag:s8] =	ssyncset.done $0x0  }
0x65: {  	[sflag:s8] =	ssyncadd.s32 $0xFFFFC180;
	s2 =	sadd.s32 @!p1 $0x203F, s0  }
0x66: {  	[spmem:s14] =	stream.linear.scatter @!p1 [tilespmem:s2], [sflag:$0x1], $0x1, $0x38;
	[tilespmem:$0x11A60] =	vst v63  }
0x67: {  	s2 =	simm.s32 @!p1 $0x1  }
0x68: {  	_ =	swait.ge @!p1 [sflag:s2], $0x1  }
0x69: {  	s22 =	sshll.u32 s24, $0x4;
	[sflag:s2] =	ssyncset.done @!p1 $0x0  }
0x6a: {  	s25 =	sand.u32 $0x10, s22;
	[sflag:s2] =	ssyncadd.s32 @!p1 $0xFFFFFFFF  }
0x6b: {  	s2 =	sxor.u32 $0x10, s25;
	v4 =	vld [tilespmem:s25+$0x10]  }
0x6c: {  	v5 =	vld [tilespmem:s2+$0x60]  }
0x6d: {  	v3 =	vld [tilespmem:$0x80];
	_ =	sdelay $0x2  }
0x6e: {  	(v2sf) =	vpush v4, $0x0  }
0x6f: {  	(v2sf) =	vpush v5, $0x0  }
0x70: {  	(v2sf) =	vpush v3, $0x0;
	_ =	sdelay $0xc  }
0x71: {  	s22 =	spop (v2sf)  }
0x72: {  	s26 =	spop (v2sf)  }
0x73: {  	s28 =	spop (v2sf)  }
0x74: {  	p2 =	seq.s32 s22, s26;
	p3 =	seq.s32 s28, s22  }
0x75: {  	p3 =	por p2, p3  }
0x76: {  	s26 =	sand.u32 $0x1, s24;
	v4 =	vpsel p3, $0xFFFFFFFF, v4  }
0x77: {  	s29 =	smul.u32 $0x1F40, s26;
	[tilespmem:s25+$0x10] =	vst.msk $0x1, v4  }
0x78: {  	v4 =	vld [tilespmem:$0x30]  }
0x79: {  	v5 =	vld [tilespmem:s29+$0x9D40]  }
0x7a: {  	v6 =	vld [tilespmem:s25+$0x40];
	_ =	sdelay $0x3  }
0x7b: {  	vm4 =	vmmov vm1;
	v5 =	vadd.f32 v5, v4  }
0x7c: {  	vm5 =	vmmov vm2;
	vm4 =	vmmov @p2 vm2;
	s22 =	sshll.u32 s26, $0x4;
	v4 =	vadd.f32 v6, v4  }
0x7d: {  	s26 =	sor.u32 $0x11A40, s22;
	vm5 =	vmmov @p3 vm1;
	[tilespmem:s29+$0x9D40] =	vst.msk vm4, v5  }
0x7e: {  	[tilespmem:s26+$0x0] =	vst.msk vm5, v4  }
0x7f: {  	v4 =	vld [tilespmem:s29+$0x7DF0];
	_ =	sdelay $0x3  }
0x80: {  	v5 =	vimm.f32 $0.0e+00  }
0x81: {  	v4 =	vshift.insert v4, v5, s21  }
0x82: {  	s22 =	sor.u32 $0x40, s2  }
0x83: {  	[tilespmem:s22+$0x0] =	vst.msk $0x1, v4  }
0x84: {  	[tilespmem:s29+$0x7DFF] =	vst.msk $0x1, v5  }
0x85: {  	v4 =	vld [tilespmem:s0+$0x2030];
	_ =	sdelay $0x1  }
0x86: {  	s22 =	smulhi.u32 $0xAAAAAAAB, s20;
	s0 =	simm.s32 $0x1  }
0x87: {  	s0 =	simm.s32 @!p0 $0x0  }
0x88: {  	s22 =	sshrl.u32 s22, $0x1;
	s0 =	smul.u32 $0x7D00, s0  }
0x89: {  	s22 =	smul.u32 $0xFFFE8900, s22;
	v4 =	vshift.insert v4, v1, s21  }
0x8a: {  	s0 =	sshrl.u32 s0, $0x2  }
0x8b: {  	s22 =	sshra.s32 s22, $0x2;
	s30 =	sadd.s32 $0x9D40, s0;
	[tilespmem:s2+$0x10] =	vst.msk $0x1, v4  }
0x8c: {  	s22 =	sadd.s32 s22, s19;
	v6 =	vld [tilespmem:s30+$0x0]  }
0x8d: {  	v7 =	vld [tilespmem:s22+$0x0];
	_ =	sdelay $0x3  }
0x8e: {  	v5 =	vadd.f32 v6, v5  }
0x8f: {  	vm4 =	vne.s32 v7, $0xFFFFFFFF  }
0x90: {  	(xrf2) =	vadd.seg.scan.f32 vm4, v5;
	_ =	sdelay $0x3  }
0x91: {  	s31 =	sadd.s32 $0x5EC0, s0;
	v5 =	vperm.xlane v4, v1  }
0x92: {  	v6 =	vld [tilespmem:s31+$0x0]  }
0x93: {  	vm5 =	veq.s32 v7, v3;
	vm6 =	veq.s32 v7, v5  }
0x94: {  	vm7 =	vgt.u32 v7, $0xFFFFFFFD;
	vm6 =	vmor vm6, vm5  }
0x95: {  	vm6 =	vmor vm6, vm7  }
0x96: {  	v9 =	vld [tilespmem:$0xA0];
	v7 =	vsel vm6, $0xFFFFFFFF, v7  }
0x97: {  	v10 =	vld [tilespmem:$0x90];
	v6 =	vsel vm5, $0x0, v6;
	v8, _, _ =	vpop (xrf2)  }
0x98: {  	v6 =	vadd.f32 v8, v6  }
0x99: {  	s0 =	sadd.s32 $0xDBC0, s0  }
0x9a: {  	vm4 =	vmand vm4, vm3;
	[tilespmem:s0+$0x0] =	vst v6;
	(ifvalue) =	ssetifvalue $0xFFFFFFFF  }
0x9b: {  	vm6 =	veq.s32 v9, $0x1;
	[hbm4b:s1+s16] =	stream.indirect_vreg.scatter [tilespmem:s0], [sflag:$0x2], $0x1, v7, vm0, $0x4038;
	v7 =	vsel vm4, $0x0, v8;
	[tilespmem:$0x11A60] =	vst v63  }
0x9c: {  	s2 =	simm.s32 $0x0;
	s22 =	sadd.s32 $0x10, s22;
	vm4 =	vmor vm6, vm5;
	v6 =	vsel vm5, v8, v10;
	v7 =	vshift.insert v7, v0, s21  }
.LBB2_7:
0x9d: {  	v8 =	vld [tilespmem:s22+$0x0];
	s30 =	sadd.s32 $0x10, s30  }
0x9e: {  	s31 =	sadd.s32 $0x10, s31;
	v9 =	vld [tilespmem:s30+$0x0]  }
0x9f: {  	s2 =	sadd.s32 $0x10, s2;
	v10 =	vld [tilespmem:s31+$0x0]  }
0xa0: {  	p2 =	slt.u32 s2, $0x1F30;
	_ =	sdelay $0x2  }
0xa1: {  	v7 =	vadd.f32 v9, v7  }
0xa2: {  	vm5 =	vne.s32 v8, $0xFFFFFFFF  }
0xa3: {  	vm6 =	vmand vm5, vm3;
	(xrf2) =	vadd.seg.scan.f32 vm5, v7;
	_ =	sdelay $0x5  }
0xa4: {  	vm7 =	veq.s32 v8, v5;
	vm5 =	veq.s32 v8, v3  }
0xa5: {  	vm8 =	vgt.u32 v8, $0xFFFFFFFD;
	vm4 =	vmor vm4, vm5;
	vm7 =	vmor vm7, vm5  }
0xa6: {  	vm7 =	vmor vm7, vm8  }
0xa7: {  	v8 =	vsel vm7, $0xFFFFFFFF, v8  }
.Ltmp5:
0xa8: {  	v7 =	vsel vm5, $0x0, v10;
	v9, _, _ =	vpop (xrf2);
	(pc) =	sbr.rel @p2 .LBB2_7-.Ltmp5, $4  }
0xa9: {  	v6 =	vsel vm5, v9, v6;
	v10 =	vadd.f32 v9, v7;
	v7 =	vsel vm6, $0x0, v9  }
0xaa: {  	s0 =	sadd.s32 $0x10, s0;
	v7 =	vshift.insert v7, v0, s21  }
0xab: {  	s22 =	sadd.s32 $0x10, s22;
	[tilespmem:s0+$0x0] =	vst v10;
	(ifvalue) =	ssetifvalue $0xFFFFFFFF  }
0xac: {  	[hbm4b:s1+s16] =	stream.indirect_vreg.scatter [tilespmem:s0], [sflag:$0x2], $0x1, v8, vm0, $0x4038;
	[tilespmem:$0x11A60] =	vst v63  }
0xad: {  	v3 =	vld [tilespmem:s29+$0xFAF0];
	_ =	sdelay $0x4  }
0xae: {  	v3 =	vshift.insert v3, v0, s21  }
0xaf: {  	s0 =	simm.s32 $0x30  }
0xb0: {  	[tilespmem:s0+$0x0] =	vst.msk $0x1, v3  }
0xb1: {  	v3 =	vsel vm4, $0x1, v1;
	[tilespmem:$0x90] =	vst v6  }
0xb2: {  	s0 =	sadd.s32 @!p1 $0xFAFF, s29;
	[tilespmem:$0xA0] =	vst v3  }
0xb3: {  	[spmem:s15] =	stream.linear.scatter @!p1 [tilespmem:s0], [sflag:$0x1], $0x1, $0x38;
	[tilespmem:$0x11A60] =	vst v63  }
0xb4: {  	s0 =	simm.s32 @!p1 $0x1  }
0xb5: {  	v3 =	vmctz.xlane @!p1 vm4;
	_ =	swait.ge @!p1 [sflag:s0], $0x1  }
0xb6: {  	(v2sf) =	vpush @!p1 v4, $0x0  }
0xb7: {  	(v2sf) =	vpush @!p1 v3, $0x0;
	_ =	sdelay $0xd  }
0xb8: {  	s2 =	spop @!p1 (v2sf)  }
0xb9: {  	s22 =	spop @!p1 (v2sf)  }
0xba: {  	p2 =	sne.s32 @!p1 s28, s2;
	p3 =	slt.s32 @!p1 s22, $0xF  }
0xbb: {  	[sflag:s0] =	ssyncset.done @!p1 $0x0;
	p2 =	por p2, p1;
	p3 =	por !p3, p1  }
0xbc: {  	[sflag:s0] =	ssyncadd.s32 @!p1 $0xFFFFFFFF;
	v3 =	vimm.s32 @!p2 $0xFFFFFFFF;
	s22 =	simm.s32 @p3 $0xF  }
0xbd: {  	[tilespmem:$0x80] =	vst @!p2 v3;
	s2 =	sadd.s32 @!p1 $0x90, s22  }
0xbe: {  	[spmem:s3] =	stream.linear.scatter @!p1 [tilespmem:s2], [sflag:$0x1], $0x1, $0x38;
	[tilespmem:$0x11A60] =	vst v63  }
0xbf: {  	_ =	swait.ge @!p1 [sflag:s0], $0x1  }
0xc0: {  	[sflag:s0] =	ssyncset.done @!p1 $0x0  }
0xc1: {  	s2 =	simm.s32 @!p1 $0x80;
	[sflag:s0] =	ssyncadd.s32 @!p1 $0xFFFFFFFF  }
0xc2: {  	[spmem:s13] =	stream.linear.scatter @!p1 [tilespmem:s2], [sflag:$0x1], $0x1, $0x38;
	[tilespmem:$0x11A60] =	vst v63  }
0xc3: {  	_ =	swait.ge @!p1 [sflag:s0], $0x1  }
0xc4: {  	[sflag:s0] =	ssyncset.done @!p1 $0x0  }
0xc5: {  	[sflag:s0] =	ssyncadd.s32 @!p1 $0xFFFFFFFF;
	(ifvalue) =	ssetifvalue $0xFFFFFFFF;
	v3 =	vld [tilespmem:s25+$0x10];
	_ =	sdelay $0x3  }
.Ltmp6:
0xc6: {  	_ = 	snop;
	(pc) =	sbr.rel .LBB2_9-.Ltmp6, $3  }
0xc7: {  	_ =	sdelay $0x1  }
0xc8: {  	(ifvalue) =	ssetifvalue $0xFFFFFFFF  }
0xc9: {  	[hbm4b:s1+s16] =	stream.indirect_vreg.scatter [tilespmem:s26], [sflag:$0x9], $0x1, v3, vm0, $0x4038;
	[tilespmem:$0x11A60] =	vst v63  }
.LBB2_10:
0xca: {  	_ =	sfence.sel $0x180000  }
0xcb: {  	s0 =	simm.s32 $0x7;
	[bflag:$0x0] =	sbarrier.arrive $0xFFFF  }
0xcc: {  	s26 =	simm.s32 $0x8;
	[sflag:s0] =	ssyncpa.u1 $0x1  }
0xcd: {  	s28 =	simm.s32 $0x9;
	[sflag:s26] =	ssyncpa.u1 $0x1  }
0xce: {  	[sflag:s28] =	ssyncpa.u1 $0x1  }
0xcf: {  	_ =	sfence.stream.spmem  }
0xd0: {  	s29 =	simm.s32 $0x3;
	[bflag:$0x0] =	sbarrier.arrive $0xFFFF  }
0xd1: {  	s30 =	simm.s32 $0x4;
	[sflag:s29] =	ssyncpa.u1 $0x1  }
0xd2: {  	s31 =	simm.s32 $0x3C;
	s2 =	stileid.u32;
	[sflag:s30] =	ssyncpa.u1 $0x1  }
0xd3: {  	p0 =	sne.s32 s2, $0x0;
	[sflag:s31] =	ssyncpa.u1 $0x1  }
0xd4: {  	s0 =	simm.s32 @p0 $0x1;
	_ =	sfence @p0  }
0xd5: {  	[sflag:s0] =	ssyncpa.u1 @p0 $0x1;
	s0 =	simm.s32 @p0 $0x2  }
0xd6: {  	[sflag:s0] =	ssyncpa.u1 @p0 $0x1  }
0xd7: {  	_ =	strace @p0 $0x9000004A  }
0xd8: {  	[bflag:$0x2] =	sbarrier.arrive @p0 $0xFFFF  }
0xd9: {  	_ =	shalt @p0  }
.LBB2_11:
0xda: {  	_ =	sfence.stream.spmem;
	s0 =	simm.s32 $0x5  }
0xdb: {  	s2 =	simm.s32 $0x80;
	s3 =	simm.s32 $0xC0;
	[sflag:s0] =	ssyncpa.u1 $0x0  }
0xdc: {  	[tilespmem:s3], [sflag:$0x5] =	stream.linear.gather [spmem:s2], $0x20, $0x38;
	[tilespmem:$0x11A60] =	vst v63  }
0xdd: {  	s2 =	simm.s32 $0x0;
	s3 =	simm.s32 $0xE0  }
0xde: {  	[tilespmem:s3], [sflag:$0x5] =	stream.linear.gather [spmem:s2], $0x20, $0x38;
	[tilespmem:$0x11A60] =	vst v63  }
.Ltmp7:
0xdf: {  	_ = 	snop;
	(pc) =	sbr.rel .LBB2_12-.Ltmp7, $4  }
0xe0: {  	_ =	swait.ge [sflag:s0], $0x40  }
0xe1: {  	[sflag:s0] =	ssyncset.done $0x0  }
0xe2: {  	s31 =	simm.s32 $0x6;
	[sflag:s0] =	ssyncadd.s32 $0xFFFFFFC0  }
0xe3: {  	s4 =	simm.s32 $0x0;
	[sflag:s31] =	ssyncpa.u1 $0x0  }
.LBB2_17:
0xe4: {  	p0 =	sgt.u32 s5, $0x63FFFFF  }
0xe5: {  	s0 =	sshrl.u32 @!p0 s5, $0x3  }
0xe6: {  	s5 =	sand.u32 @!p0 $0x7, s5;
	s6 =	simm.s32 @!p0 $0xB0;
	s0 =	sadd.s32 @!p0 s1, s0  }
0xe7: {  	[tilespmem:s6], [sflag:$0x6] =	stream.linear.gather @!p0 [hbm4b:s0+s5], $0x1, $0x38;
	[tilespmem:$0x11A60] =	vst v63  }
0xe8: {  	s0 =	simm.s32 @!p0 $0x6  }
0xe9: {  	_ =	swait.ge @!p0 [sflag:s0], $0x1  }
0xea: {  	[sflag:s0] =	ssyncset.done @!p0 $0x0  }
0xeb: {  	[sflag:s0] =	ssyncadd.s32 @!p0 $0xFFFFFFFF  }
0xec: {  	v2 =	vmov @!p0 s4;
	v1 =	vld.msk @!p0 [tilespmem:$0xB0], $0x1;
	_ =	sdelay $0x3  }
0xed: {  	s0 =	simm.s32 @!p0 $0xE0  }
0xee: {  	[tilespmem:v2+s0+$0x0], v1 =	vst.idx.ret.add.f32.msk @!p0 $0x1, v1  }
0xef: {  	[tilespmem:s2+$0xC0] =	vst.msk $0x1, v0  }
0xf0: {  	v0 =	vld.msk [tilespmem:s4+$0xE0], $0x1;
	_ =	sdelay $0x4  }
0xf1: {  	[tilespmem:s2+$0xE0] =	vst.msk $0x1, v0;
	s2 =	sadd.s32 $0x1, s2  }
.LBB2_19:
0xf2: {  	s4 =	sadd.s32 $0x1, s4  }
0xf3: {  	p0 =	sne.s32 s4, $0x20  }
.Ltmp8:
0xf4: {  	_ = 	snop;
	(pc) =	sbr.rel @!p0 .LBB2_20-.Ltmp8, $1  }
0xf5: {  	_ =	sdelay $0x3  }
.LBB2_12:
0xf6: {  	v0 =	vld.msk [tilespmem:s4+$0xC0], $0x1;
	_ =	sdelay $0x4  }
0xf7: {  	(v2sf) =	vpush v0, $0x0;
	_ =	sdelay $0xe  }
0xf8: {  	s5 =	spop (v2sf)  }
0xf9: {  	p0 =	seq.s32 s5, $0xFFFFFFFF  }
.Ltmp9:
0xfa: {  	_ = 	snop;
	(pc) =	sbr.rel @p0 .LBB2_19-.Ltmp9, $1  }
0xfb: {  	_ =	sdelay $0x3  }
0xfc: {  	p0 =	slt.s32 s2, $0x1  }
.Ltmp10:
0xfd: {  	_ = 	snop;
	(pc) =	sbr.rel @p0 .LBB2_17-.Ltmp10, $1  }
0xfe: {  	_ =	sdelay $0x3  }
0xff: {  	s0 =	simm.s32 $0xC0;
	p0 =	por $0x0, $0x0  }
0x100: {  	v1 =	vld.msk @!p0 [tilespmem:s0+$0x0], $0x1;
	_ =	sdelay $0x4  }
0x101: {  	(v2sf) =	vpush @!p0 v1, $0x0;
	_ =	sdelay $0xd  }
0x102: {  	p2 =	sne.s32 s2, $0x1  }
.Ltmp11:
0x103: {  	s6 =	spop @!p0 (v2sf);
	(pc) =	sbr.rel @!p2 .LBB2_16-.Ltmp11, $4  }
0x104: {  	p1 =	seq.s32 @!p0 s5, s6  }
0x105: {  	s6 =	simm.s32 $0x0;
	p1 =	por !p1, p0  }
0x106: {  	s8 =	simm.s32 $0xFFFFFFFF;
	s6 =	simm.s32 @p1 $0xFFFFFFFF  }
0x107: {  	s7 =	simm.s32 $0x1;
	s6 =	smov.u32 @p0 s8  }
.LBB2_15:
0x108: {  	s8 =	smov.u32 s6;
	p0 =	sne.s32 s6, $0xFFFFFFFF  }
0x109: {  	s0 =	sadd.s32 $0x1, s0;
	s6 =	smov.u32 s7;
	s7 =	sadd.s32 $0x1, s7  }
0x10a: {  	p1 =	sne.s32 s2, s7;
	v1 =	vld.msk @!p0 [tilespmem:s0+$0x0], $0x1;
	_ =	sdelay $0x4  }
0x10b: {  	(v2sf) =	vpush @!p0 v1, $0x0;
	_ =	sdelay $0xe  }
.Ltmp12:
0x10c: {  	s9 =	spop @!p0 (v2sf);
	(pc) =	sbr.rel @p1 .LBB2_15-.Ltmp12, $4  }
0x10d: {  	p2 =	seq.s32 @!p0 s5, s9  }
0x10e: {  	p2 =	por !p2, p0  }
0x10f: {  	s6 =	simm.s32 @p2 $0xFFFFFFFF  }
0x110: {  	s6 =	smov.u32 @p0 s8  }
.LBB2_16:
0x111: {  	p0 =	sne.s32 s6, $0xFFFFFFFF  }
.Ltmp13:
0x112: {  	_ = 	snop;
	(pc) =	sbr.rel @!p0 .LBB2_17-.Ltmp13, $1  }
0x113: {  	_ =	sdelay $0x3  }
0x114: {  	v0 =	vld.msk [tilespmem:s4+$0xE0], $0x1;
	v1 =	vmov s6  }
.Ltmp14:
0x115: {  	_ = 	snop;
	(pc) =	sbr.rel .LBB2_19-.Ltmp14, $2  }
0x116: {  	_ =	sdelay $0x2  }
0x117: {  	[tilespmem:v1+s3+$0x0], v0 =	vst.idx.ret.add.f32.msk $0x1, v0  }
.LBB2_20:
0x118: {  	p0 =	slt.s32 s2, $0x1  }
.Ltmp15:
0x119: {  	_ = 	snop;
	(pc) =	sbr.rel @p0 .LBB2_24-.Ltmp15, $3  }
0x11a: {  	_ =	sdelay $0x1  }
0x11b: {  	s0 =	simm.s32 $0x6  }
0x11c: {  	s3 =	simm.s32 $0x0;
	[sflag:s0] =	ssyncpa.u1 $0x1  }
0x11d: {  	s0 =	simm.s32 $0xC0  }
0x11e: {  	v0 =	vld.msk [tilespmem:s0+$0x0], $0x1;
	_ =	sdelay $0x4  }
0x11f: {  	(v2sf) =	vpush v0, $0x0;
	_ =	sdelay $0xe  }
0x120: {  	s2 =	sadd.s32 $0xFFFFFFFF, s2;
	s4 =	spop (v2sf)  }
0x121: {  	p1 =	sne.s32 s2, $0x0;
	p0 =	sgt.u32 s4, $0x63FFFFF  }
.Ltmp16:
0x122: {  	s5 =	sshrl.u32 @!p0 s4, $0x3;
	(pc) =	sbr.rel @!p1 .LBB2_23-.Ltmp16, $4  }
0x123: {  	s0 =	simm.s32 $0xE0;
	s4 =	sand.u32 @!p0 $0x7, s4;
	s5 =	sadd.s32 @!p0 s1, s5  }
0x124: {  	[hbm4b:s5+s4] =	stream.linear.scatter @!p0 [tilespmem:s0], [sflag:$0x5], $0x1, $0x38;
	[tilespmem:$0x11A60] =	vst v63  }
0x125: {  	s5 =	simm.s32 $0x0  }
0x126: {  	s4 =	simm.s32 $0xC1;
	s5 =	simm.s32 @!p0 $0x4  }
.LBB2_22:
0x127: {  	v0 =	vld.msk [tilespmem:s4+$0x0], $0x1;
	s2 =	sadd.s32 $0xFFFFFFFF, s2;
	s3 =	sadd.s32 s3, s5  }
0x128: {  	p0 =	sne.s32 s2, $0x0;
	_ =	sdelay $0x3  }
0x129: {  	(v2sf) =	vpush v0, $0x0;
	_ =	sdelay $0xe  }
.Ltmp17:
0x12a: {  	s6 =	spop (v2sf);
	(pc) =	sbr.rel @p0 .LBB2_22-.Ltmp17, $4  }
0x12b: {  	s5 =	simm.s32 $0x0;
	p1 =	sgt.u32 s6, $0x63FFFFF  }
0x12c: {  	s0 =	sadd.s32 $0x1, s0;
	s5 =	simm.s32 @!p1 $0x4;
	s7 =	sshrl.u32 @!p1 s6, $0x3  }
0x12d: {  	s4 =	sadd.s32 $0x1, s4;
	s6 =	sand.u32 @!p1 $0x7, s6;
	s7 =	sadd.s32 @!p1 s1, s7  }
0x12e: {  	[hbm4b:s7+s6] =	stream.linear.scatter @!p1 [tilespmem:s0], [sflag:$0x5], $0x1, $0x38;
	[tilespmem:$0x11A60] =	vst v63  }
.LBB2_23:
0x12f: {  	s0 =	sadd.s32 s3, s5  }
0x130: {  	s3 =	sshrl.u32 s0, $0x2  }
.LBB2_24:
0x131: {  	s0 =	simm.s32 $0x5  }
0x132: {  	_ =	swait.ge [sflag:s0], s3  }
0x133: {  	s1 =	ssub.s32 $0x0, s3;
	[sflag:s0] =	ssyncset.done $0x0  }
0x134: {  	[sflag:s0] =	ssyncadd.s32 s1  }
0x135: {  	[sflag:s0] =	ssyncpa.u1 $0x1  }
0x136: {  	s29 =	simm.s32 $0x1;
	_ =	sfence  }
0x137: {  	s30 =	simm.s32 $0x2;
	[sflag:s29] =	ssyncpa.u1 $0x1  }
0x138: {  	[sflag:s30] =	ssyncpa.u1 $0x1  }
0x139: {  	_ =	strace $0x9000004A  }
0x13a: {  	[bflag:$0x2] =	sbarrier.arrive $0xFFFF  }
0x13b: {  	s31 =	rddreg [dreg:$0x1]  }
0x13c: {  	s0 =	sadd.s32 $0x100000, s31  }
0x13d: {  	[sflag:s0] =	ssyncadd.tile.s32 $0x1;
	_ =	shalt  }
.Lfunc_end2:
_tile_overlayer_lowered:
.L_overlay_start_2:
0x13e: {  	(tag) =	ssettag $0x2  }
0x13f: {  	s0 =	rddreg [dreg:$0x0];
	s2 =	stileid.u32  }
0x140: {  	s1 =	rddreg [dreg:$0x1];
	p0 =	sne.s32 s2, $0x0  }
0x141: {  	s3 =	rddreg [dreg:$0x2];
	[bflag:$0x3] =	sbarrier.arrive $0xFFFF;
	s2 =	simm.s32 @!p0 $0x1C01  }
0x142: {  	[timem:s3], [sflag:s2] =	dma.local @!p0 [hbm:s0], s1  }
0x143: {  	s0 =	simm.s32 @!p0 $0x1  }
0x144: {  	_ =	swait.ge @!p0 [sflag:s0], s1  }
0x145: {  	s1 =	ssub.s32 @!p0 $0x0, s1;
	[sflag:s0] =	ssyncset.done @!p0 $0x0  }
0x146: {  	[sflag:s0] =	ssyncadd.s32 @!p0 s1  }
0x147: {  	[bflag:$0x3] =	sbarrier.arrive $0xFFFF  }
0x148: {  	_ =	shalt  }

// kernel: scatter_offload_async_start
scs
__scs_entry_jumppad:
0x0: {  	(pc) =	sbr.rel $0x88, $3  }
0x1: {  	(tag) =	ssettag $0x0;
	lr =	simm.s32 $0x1  }
0x2: {  	[smem:$0x3F97] =	sst lr;
	_ =	strace $0xD0000000  }
0x3: {  	_ = 	snop  }
0x4: {  	_ = 	snop  }
0x5: {  	_ = 	snop  }
0x6: {  	_ = 	snop  }
0x7: {  	_ = 	snop  }
__scs_overlays_trampoline_lowered:
0x8: {  	[smem:$0x3FA6] =	sst s0  }
0x9: {  	[smem:$0x3FA7] =	sst s1  }
0xa: {  	[smem:$0x3FA8] =	sst s2  }
0xb: {  	[smem:$0x3FA9] =	sst s3  }
0xc: {  	[smem:$0x3FAA] =	sst s4  }
0xd: {  	[smem:$0x3FAB] =	sst s5  }
0xe: {  	[smem:$0x3FAC] =	sst s6  }
0xf: {  	[smem:$0x3FAD] =	sst s7  }
0x10: {  	[smem:$0x3FAE] =	sst s8  }
0x11: {  	[smem:$0x3FAF] =	sst s9;
	s0 =	simm.s32 @!p0 $0x0  }
0x12: {  	s1 =	sld [smem:$0x3F95];
	s0 =	simm.s32 @p0 $0x1  }
0x13: {  	[smem:$0x3FB0] =	sst s0;
	s0 =	simm.s32 @!p1 $0x0  }
0x14: {  	s2 =	sld [smem:$0x3F94];
	s0 =	simm.s32 @p1 $0x1  }
0x15: {  	[smem:$0x3FB1] =	sst s0;
	s0 =	simm.s32 @!p2 $0x0  }
0x16: {  	s3 =	sld [smem:$0x3FDB];
	s0 =	simm.s32 @p2 $0x1  }
0x17: {  	s4 =	simm.s32 $0x1BF5;
	[smem:$0x3FB3] =	sst s0  }
0x18: {  	s0 =	sld [smem:$0x3F96];
	_ =	swait.ge [sflag:s4], $0x0  }
0x19: {  	s7 =	sld [smem:$0x3F97]  }
0x1a: {  	s8 =	sadd.s32 $0xFFFFE003, lr  }
0x1b: {  	s9 =	sadd.s32 $0xFFFFFEF7, lr;
	s5 =	simm.s32 $0xFFFFFFFF;
	p2 =	slt.u32 s8, $0xFFFFF086  }
0x1c: {  	p1 =	slt.u32 s9, $0xF7A;
	s5 =	simm.s32 @!p2 $0x0  }
0x1d: {  	s5 =	simm.s32 @p1 $0x1;
	p0 =	seq.s32 s7, s2  }
0x1e: {  	s7 =	smul.u32 @!p0 $0xF7A, s2;
	p2 =	seq.s32 @!p0 s5, $0x0  }
0x1f: {  	s9 =	smul.u32 $0xF7A, s1;
	s8 =	simm.s32 @!p0 $0x1BF5;
	p2 =	por !p2, p0  }
0x20: {  	[sflag:s8] =	ssyncset.s32 @!p0 $0xFFFFF086;
	s6 =	sadd.s32 @!p0 s3, s7;
	s7 =	simm.s32 @!p0 $0x108  }
0x21: {  	s3 =	sadd.s32 s3, s9;
	s6 =	sadd.s32 @!p0 $0x88, s6;
	s7 =	simm.s32 @p2 $0x1082  }
0x22: {  	[simem:s7], [sflag:s8] =	dma.local @!p0 [hbm:s6], $0xF7A  }
0x23: {  	s9 =	sor.u32 $0xD0000000, s2;
	s6 =	simm.s32 $0x108;
	_ =	swait.ge @!p0 [sflag:s8], $0x0  }
0x24: {  	s3 =	sadd.s32 $0x88, s3;
	s6 =	simm.s32 @!p1 $0x1082;
	[sflag:s4] =	ssyncset.s32 $0xFFFFF086  }
0x25: {  	[simem:s6], [sflag:s4] =	dma.local [hbm:s3], $0xF7A  }
0x26: {  	[smem:$0x3F97] =	sst s1;
	(tag) =	ssettag s2;
	_ =	strace s9  }
0x27: {  	s1 =	sld [smem:$0x3FA7]  }
0x28: {  	s2 =	sld [smem:$0x3FA8]  }
0x29: {  	s4 =	sld [smem:$0x3FAA]  }
0x2a: {  	p0 =	seq.s32 s5, $0x0;
	s5 =	sld [smem:$0x3FAB]  }
0x2b: {  	s6 =	sld [smem:$0x3FAC]  }
0x2c: {  	s7 =	sld [smem:$0x3FAD]  }
0x2d: {  	s3 =	simm.s32 $0x108;
	s8 =	sld [smem:$0x3FAE]  }
0x2e: {  	s3 =	simm.s32 @!p0 $0x1082;
	s9 =	sld [smem:$0x3FAF]  }
0x2f: {  	lr =	sadd.s32 s0, s3;
	s0 =	sld [smem:$0x3FA6]  }
0x30: {  	s3 =	sld [smem:$0x3FA9]  }
0x31: {  	[smem:$0x3FB2] =	sst s10  }
0x32: {  	s10 =	sld [smem:$0x3FB0];
	_ =	sdelay $0x3  }
0x33: {  	p0 =	seq.s32 s10, $0x1;
	s10 =	sld [smem:$0x3FB2];
	_ =	sdelay $0x3  }
0x34: {  	[smem:$0x3FB2] =	sst s10  }
0x35: {  	s10 =	sld [smem:$0x3FB1];
	_ =	sdelay $0x3  }
0x36: {  	p1 =	seq.s32 s10, $0x1;
	s10 =	sld [smem:$0x3FB2];
	_ =	sdelay $0x3  }
0x37: {  	[smem:$0x3FB2] =	sst s10  }
0x38: {  	s10 =	sld [smem:$0x3FB3]  }
0x39: {  	_ = 	snop;
	(pc) =	sbr.ind lr, $3  }
0x3a: {  	_ = 	snop  }
0x3b: {  	_ = 	snop  }
0x3c: {  	p2 =	seq.s32 s10, $0x1;
	s10 =	sld [smem:$0x3FB2]  }
0x3d: {  	_ =	shalt  }
0x3e: {  	_ =	shalt  }
0x3f: {  	_ =	shalt  }
0x40: {  	_ =	shalt  }
0x41: {  	_ =	shalt  }
0x42: {  	_ =	shalt  }
0x43: {  	_ =	shalt  }
0x44: {  	_ =	shalt  }
0x45: {  	_ =	shalt  }
0x46: {  	_ =	shalt  }
0x47: {  	_ =	shalt  }
0x48: {  	_ =	shalt  }
0x49: {  	_ =	shalt  }
0x4a: {  	_ =	shalt  }
0x4b: {  	_ =	shalt  }
0x4c: {  	_ =	shalt  }
0x4d: {  	_ =	shalt  }
0x4e: {  	_ =	shalt  }
0x4f: {  	_ =	shalt  }
0x50: {  	_ =	shalt  }
0x51: {  	_ =	shalt  }
0x52: {  	_ =	shalt  }
0x53: {  	_ =	shalt  }
0x54: {  	_ =	shalt  }
0x55: {  	_ =	shalt  }
0x56: {  	_ =	shalt  }
0x57: {  	_ =	shalt  }
0x58: {  	_ =	shalt  }
0x59: {  	_ =	shalt  }
0x5a: {  	_ =	shalt  }
0x5b: {  	_ =	shalt  }
0x5c: {  	_ =	shalt  }
0x5d: {  	_ =	shalt  }
0x5e: {  	_ =	shalt  }
0x5f: {  	_ =	shalt  }
0x60: {  	_ =	shalt  }
0x61: {  	_ =	shalt  }
0x62: {  	_ =	shalt  }
0x63: {  	_ =	shalt  }
0x64: {  	_ =	shalt  }
0x65: {  	_ =	shalt  }
0x66: {  	_ =	shalt  }
0x67: {  	_ =	shalt  }
0x68: {  	_ =	shalt  }
0x69: {  	_ =	shalt  }
0x6a: {  	_ =	shalt  }
0x6b: {  	_ =	shalt  }
0x6c: {  	_ =	shalt  }
0x6d: {  	_ =	shalt  }
0x6e: {  	_ =	shalt  }
0x6f: {  	_ =	shalt  }
0x70: {  	_ =	shalt  }
0x71: {  	_ =	shalt  }
0x72: {  	_ =	shalt  }
0x73: {  	_ =	shalt  }
0x74: {  	_ =	shalt  }
0x75: {  	_ =	shalt  }
0x76: {  	_ =	shalt  }
0x77: {  	_ =	shalt  }
0x78: {  	_ =	shalt  }
0x79: {  	_ =	shalt  }
0x7a: {  	_ =	shalt  }
0x7b: {  	_ =	shalt  }
0x7c: {  	_ =	shalt  }
0x7d: {  	_ =	shalt  }
0x7e: {  	_ =	shalt  }
0x7f: {  	_ =	shalt  }
0x80: {  	_ =	shalt  }
0x81: {  	_ =	shalt  }
0x82: {  	_ =	shalt  }
0x83: {  	_ =	shalt  }
0x84: {  	_ =	shalt  }
0x85: {  	_ =	shalt  }
0x86: {  	_ =	shalt  }
0x87: {  	_ =	shalt  }
.Lfunc_end0:
.L_simem_size_0:
called_computation_lowered:
.L_overlay_start_0:
0x88: {  	s0 =	sld [smem:$0x3FD9]  }
0x89: {  	s1 =	sld [smem:$0x3FFE];
	_ =	sdelay $0x3  }
0x8a: {  	s0 =	sadd.s32 s1, s0  }
0x8b: {  	[smem:$0x3FBE] =	sst s0  }
0x8c: {  	_ = 	snop  }
0x8d: {  	(tm) =	ssettm $0x1  }
0x8e: {  	s15 =	sld [smem:$0x3FFB];
	_ =	sdelay $0x3  }
0x8f: {  	_ =	strace s15  }
0x90: {  	s0 =	sld [smem:$0x3FFC];
	_ =	sdelay $0x3  }
0x91: {  	_ =	strace s0  }
0x92: {  	s0 =	sld [smem:$0x3FFD];
	_ =	sdelay $0x3  }
0x93: {  	_ =	strace s0  }
0x94: {  	_ =	strace $0x8FFFFFFF  }
0x95: {  	s16 =	sld [smem:$0x3FDB];
	_ =	sdelay $0x1  }
0x96: {  	s17 =	simm.s32 $_scs_section_size  }
0x97: {  	s2 =	simm.s32 $_size__tile_overlayer_lowered;
	s3 =	simm.s32 $_tile_overlayer_lowered  }
0x98: {  	s20 =	simm.s32 $0x1BFF;
	s19 =	sshll.u32 s3, $0x1;
	s0 =	sadd.s32 s17, s16  }
0x99: {  	s4 =	simm.s32 $0x0;
	s18 =	sshll.u32 s2, $0x1;
	s2 =	sadd.s32 s19, s0  }
0x9a: {  	[timem:s4], [sflag:s20] =	dma.local [hbm:s2], s18  }
0x9b: {  	_ =	swait.ge [sflag:s20], s18  }
0x9c: {  	s1 =	ssub.s32 $0x0, s18;
	[sflag:s20] =	ssyncset.done $0x0  }
0x9d: {  	[sflag:s20] =	ssyncadd.s32 s1;
	_ =	sdelay $0x1  }
0x9e: {  	s21 =	simm.s32 $0x1B8B  }
0x9f: {  	_ =	swait.ge [sflag:s21], $0x1  }
0xa0: {  	[sflag:s21] =	ssyncset.done $0x0  }
0xa1: {  	s23 =	simm.s32 $0x1B8E;
	s22 =	sld [smem:$0x3FFE];
	[sflag:s21] =	ssyncadd.s32 $0xFFFFFFFF  }
0xa2: {  	s24 =	simm.s32 $execute0_lowered;
	[smem:$0x3FD2] =	sst s23  }
0xa3: {  	s2 =	sshll.u32 s24, $0x1;
	_ =	strace $0x80000046;
	[dreg:$0x1] =	wrdreg $0xFFFFFFFF  }
0xa4: {  	s25 =	simm.s32 $_size_execute0_lowered;
	s0 =	sadd.s32 s0, s2;
	[dreg:$0x0] =	wrdreg $0x0  }
0xa5: {  	s2 =	sshll.u32 s25, $0x1;
	[dreg:$0x2] =	wrdreg s0  }
0xa6: {  	[dreg:$0x3] =	wrdreg s2  }
0xa7: {  	[dreg:$0x4] =	wrdreg $0xC0  }
0xa8: {  	_ =	task [dreg:s4], $0x5FFFF  }
0xa9: {  	[dreg:$0x1] =	wrdreg $0xFFFFFFFF  }
0xaa: {  	[dreg:$0x0] =	wrdreg $0x60  }
0xab: {  	[dreg:$0x2] =	wrdreg s22  }
0xac: {  	[dreg:$0x3] =	wrdreg $0x9  }
0xad: {  	_ =	task.clear_ibuf [dreg:s4], $0x4FFFF;
	_ =	strace $0x90000046  }
0xae: {  	s26 =	simm.s32 $0x9;
	_ =	strace $0x80000048  }
0xaf: {  	_ =	swait.ge [sflag:s26], $0x1  }
0xb0: {  	[sflag:s26] =	ssyncadd.s32 $0xFFFFFFFF  }
0xb1: {  	_ =	strace $0x90000048  }
0xb2: {  	_ =	sfence  }
0xb3: {  	s28 =	sld [smem:$0x0];
	_ =	sdelay $0x1  }
0xb4: {  	s29 =	srdreg.scid  }
0xb5: {  	s30 =	sshll.u32 s29, $0xD;
	s31 =	sshrl.u32 s29, $0x2  }
0xb6: {  	s1 =	sand.u32 $0x1, s29;
	s2 =	sand.u32 $0x4000, s30;
	s0 =	sadd.s32 s31, s28  }
0xb7: {  	s1 =	sor.u32 s2, s1;
	s0 =	sshll.u32 s0, $0x11  }
0xb8: {  	s0 =	sor.u32 s0, s1  }
0xb9: {  	s0 =	sadd.s32 $0x8F2B, s0  }
0xba: {  	[sflag:s0] =	ssyncadd.remote.s32 $0x1  }
0xbb: {  	_ =	sfence.sel $0xFFFF  }
0xbc: {  	[dreg:$0x0] =	wrdreg $0xFFFFFFFF;
	(pc) =	sbr.abs _section_cstart, $3  }
0xbd: {  	[dreg:$0x1] =	wrdreg $0xFFFFFFFF  }
0xbe: {  	_ =	task.clear_ibuf [dreg:s4], $0x2FFFF;
	_ =	strace $0x9FFFFFFF  }
0xbf: {  	(tm) =	ssettm $0x7FFFFFFF  }
tec
execute0_lowered:
.L_overlay_start_1:
0x0: {  	(tag) =	ssettag $0x1  }
0x1: {  	s0 =	rddreg [dreg:$0x0];
	_ =	strace $0x80000047;
	s15 =	stileid.u32  }
0x2: {  	s2 =	simm.s32 $0x1;
	s1 =	smin.u32 s15, $0x8;
	s3 =	sshll.u32 s15, $0x1  }
0x3: {  	v1 =	vimm.s32 $0xFFFFFFFF;
	[sflag:s2] =	ssyncpa.u1 $0x0;
	s1 =	sadd.s32 s1, s3  }
0x4: {  	p0 =	slt.u32 s15, $0x8;
	[tilespmem:$0x10] =	vst v1;
	s4 =	smul.u32 $0x1F40, s1;
	s1 =	simm.s32 $0x5DC0  }
0x5: {  	v0 =	vimm.f32 $0.0e+00;
	[tilespmem:$0x20] =	vst v1;
	s1 =	simm.s32 @!p0 $0x3E80  }
0x6: {  	[tilespmem:$0x30] =	vst v0;
	s1 =	sadd.s32 s1, s4  }
0x7: {  	[tilespmem:$0x40] =	vst v0;
	s5 =	smin.u32 s1, $0x4E200  }
0x8: {  	s7 =	simm.s32 $0x2;
	s8 =	simm.s32 $0x8;
	[tilespmem:$0x50] =	vst v0;
	s9 =	ssub.s32 s5, s4  }
0x9: {  	s31 =	simm.s32 $0x9;
	s16 =	simm.s32 $0x0;
	[tilespmem:$0x60] =	vst v1;
	p0 =	sgt.s32 s9, $0x0  }
0xa: {  	s17 =	simm.s32 $0xF0;
	s18 =	simm.s32 $0xFFFFFFFF;
	[tilespmem:$0x70] =	vst v1;
	s9 =	simm.s32 @!p0 $0x0  }
0xb: {  	s19 =	simm.s32 $0xFFFFC280;
	s20 =	simm.s32 $0xFFFFFFFE;
	[tilespmem:$0x80] =	vst v1;
	s30 =	smulhi.u32 $0x10624DD3, s9  }
0xc: {  	s21 =	simm.s32 $0xF;
	s25 =	simm.s32 $0x0;
	s24 =	simm.s32 $0x0;
	v1 =	vimm.s32 $0x0;
	[tilespmem:$0xB0] =	vst v0  }
0xd: {  	s6 =	sadd.s32 $0xA0A00, s0;
	s15 =	sshllo.u32 s15, $0x1;
	[tilespmem:$0x90] =	vst v1;
	s10 =	sshrl.u32 s30, $0x9  }
0xe: {  	[tilespmem:$0xA0] =	vst v1;
	[sflag:s7] =	ssyncpa.u1 $0x0;
	s7 =	simm.s32 $0x7;
	s11 =	smul.u32 $0x1F40, s10  }
.Ltmp0:
0xf: {  	s13 =	sor.u32 $0x80, s3;
	[sflag:s7] =	ssyncpa.u1 $0x0;
	(pc) =	sbr.rel .LBB2_1-.Ltmp0, $4  }
0x10: {  	s14 =	sor.u32 $0x81, s3;
	[sflag:s8] =	ssyncpa.u1 $0x0;
	p0 =	sne.s32 s9, s11  }
0x11: {  	s23 =	smov.u32 s4;
	s1 =	sadd.s32 $0xC8200, s0;
	s2 =	simm.s32 @!p0 $0x0  }
0x12: {  	vm0 =	vmmov $0xffff;
	v2 =	vlaneseq.u32;
	[sflag:s31] =	ssyncpa.u1 $0x0;
	s9 =	sadd.s32 $0xAA800, s0;
	s10 =	sadd.s32 s2, s10  }
0x13: {  	vm1 =	vmxor vm1, vm1;
	vm2 =	vmmov $0x1;
	vm3 =	vcmask $0x3F3C;
	p0 =	por $0x0, $0x0;
	s11 =	sadd.s32 $0x1, s10;
	s12 =	sadd.s32 $0x2, s10  }
.LBB2_9:
0x14: {  	p1 =	slt.u32 s24, $0x3  }
0x15: {  	s0 =	simm.s32 @!p1 $0x2  }
0x16: {  	_ =	swait.ge @!p1 [sflag:s0], $0x1F40  }
0x17: {  	[sflag:s0] =	ssyncset.done @!p1 $0x0  }
0x18: {  	[sflag:s0] =	ssyncadd.s32 @!p1 $0xFFFFE0C0;
	s0 =	simm.s32 @!p1 $0x9  }
0x19: {  	_ =	swait.ge @!p1 [sflag:s0], $0x10  }
0x1a: {  	[sflag:s0] =	ssyncset.done @!p1 $0x0  }
0x1b: {  	[sflag:s0] =	ssyncadd.s32 @!p1 $0xFFFFFFF0;
	p1 =	sne.s32 s24, s12  }
.Ltmp1:
0x1c: {  	s2 =	sadd.s32 $0x1F40, s23;
	(pc) =	sbr.rel @!p1 .LBB2_10-.Ltmp1, $4  }
0x1d: {  	s22 =	smov.u32 s4;
	s31 =	sadd.s32 $0x1, s24;
	s17 =	sadd.s32 $0x1F40, s17  }
0x1e: {  	s18 =	sadd.s32 $0x1, s18;
	s25 =	smov.u32 s23;
	p2 =	slt.s32 s2, s5  }
0x1f: {  	p0 =	por !p0, !p0;
	s19 =	sadd.s32 $0x1F40, s19;
	s22 =	smov.u32 @p2 s2  }
0x20: {  	s20 =	sadd.s32 $0x1, s20;
	s23 =	smov.u32 s22;
	s24 =	smov.u32 s31  }
.LBB2_1:
0x21: {  	p1 =	sge.u32 s24, s10  }
0x22: {  	s0 =	smulhi.u32 @!p1 $0xAAAAAAAB, s24;
	_ =	sdelay $0x1  }
0x23: {  	s0 =	sshrl.u32 @!p1 s0, $0x1  }
0x24: {  	s0 =	smul.u32 @!p1 $0x3, s0;
	_ =	sdelay $0x1  }
0x25: {  	s0 =	ssub.s32 @!p1 s24, s0  }
0x26: {  	s0 =	smul.u32 @!p1 $0x7D00, s0;
	_ =	sdelay $0x1  }
0x27: {  	s2 =	sshrl.u32 @!p1 s23, $0x3;
	s0 =	sshrl.u32 @!p1 s0, $0x2  }
0x28: {  	s22 =	sand.u32 @!p1 $0x7, s23;
	s2 =	sadd.s32 @!p1 s6, s2;
	s0 =	sadd.s32 @!p1 $0x100, s0  }
0x29: {  	[tilespmem:s0], [sflag:$0x7] =	stream.linear.gather @!p1 [hbm4b:s2+s22], $0x1F40, $0x38;
	[tilespmem:$0x11A60] =	vst v63  }
0x2a: {  	s0 =	sadd.s32 $0xFFFFFFFF, s24  }
0x2b: {  	p1 =	sge.u32 s0, s10  }
.Ltmp2:
0x2c: {  	_ = 	snop;
	(pc) =	sbr.rel @p1 .LBB2_5-.Ltmp2, $1  }
0x2d: {  	_ =	sdelay $0x3  }
0x2e: {  	s2 =	smulhi.u32 $0xAAAAAAAB, s0;
	_ =	sdelay $0x1  }
0x2f: {  	s2 =	sshrl.u32 s2, $0x1  }
0x30: {  	s2 =	smul.u32 $0x3, s2;
	_ =	sdelay $0x1  }
0x31: {  	s2 =	ssub.s32 s0, s2  }
0x32: {  	s2 =	smul.u32 $0x7D00, s2  }
0x33: {  	_ =	swait.ge [sflag:s7], $0x1F40  }
0x34: {  	[sflag:s7] =	ssyncset.done $0x0;
	s2 =	sshrl.u32 s2, $0x2  }
0x35: {  	[sflag:s7] =	ssyncadd.s32 $0xFFFFE0C0;
	(ifvalue) =	ssetifvalue $0xFFFFFFFF;
	v3 =	vld.msk [tilespmem:s2+$0x100 ss:$0x1], $0xffff;
	_ =	sdelay $0x2  }
0x36: {  	s30 =	smulhi.u32 $0xAAAAAAAB, s18;
	p1 =	sne.s32 s24, $0x1  }
0x37: {  	v4 =	vimm.s32 @!p1 $0x0  }
0x38: {  	s2 =	sshrl.u32 s30, $0x1;
	v4 =	vperm.xlane @!p1 v3, v4  }
0x39: {  	s22 =	sshll.u32 s24, $0x4;
	s2 =	smul.u32 $0xFFFE8900, s2;
	vm4 =	vlt.u32 v3, $0x2800  }
0x3a: {  	s22 =	sand.u32 $0x10, s22;
	v3 =	vnsel vm4, $0xFFFFFFFE, v3;
	vm4 =	vlt.u32 @!p1 v4, $0x2800  }
0x3b: {  	s2 =	sshra.s32 s2, $0x2;
	[tilespmem:s22+$0x60] =	vst v3;
	v3 =	vnsel @!p1 vm4, $0xFFFFFFFE, v4  }
0x3c: {  	s28 =	sadd.s32 s2, s17;
	[tilespmem:$0x80] =	vst @!p1 v3  }
0x3d: {  	v3 =	vld.msk [tilespmem:s28+$0x0 ss:$0x1], $0xffff;
	_ =	sdelay $0x4  }
0x3e: {  	(xrf1) =	vunique.msk.u32 $0xffff, v3;
	_ =	sdelay $0xd  }
0x3f: {  	v4 =	vimm.s32 $0xFFFFFFFF;
	v5, _, _ =	vpop (xrf1)  }
0x40: {  	vm5 =	vne.s32 v3, v4;
	vm4 =	veq.s32 v5, v2  }
0x41: {  	vm6 =	vlt.u32 v3, $0x2800;
	vm4 =	vmand vm5, vm4  }
0x42: {  	vm4 =	vmand vm6, vm4  }
0x43: {  	v4 =	vnsel vm4, $0xFFFFFFFF, v3  }
0x44: {  	s31 =	sand.u32 $0x1, s0  }
0x45: {  	s0 =	simm.s32 $0x1F40;
	p1 =	seq.s32 s31, $0x1  }
0x46: {  	s0 =	simm.s32 @!p1 $0x0  }
0x47: {  	s26 =	sadd.s32 $0x7DF0, s0;
	(ifvalue) =	ssetifvalue $0xFFFFFFFF  }
0x48: {  	v3 =	vperm.xlane v3, v1;
	[tilespmem:s26], [sflag:$0x8] =	stream.indirect_vreg.gather [hbm4b:s1+s16], $0x1, v4, vm0, $0x4038;
	v4 =	vnsel vm6, $0xFFFFFFFE, v4;
	[tilespmem:$0x11A60] =	vst v63  }
0x49: {  	s2 =	simm.s32 $0x0;
	s22 =	sadd.s32 $0xFFFFFFF0, s28;
	[tilespmem:s28+$0x0] =	vst v4  }
.LBB2_3:
0x4a: {  	v4 =	vld.msk [tilespmem:s22+$0x0 ss:$0x1], $0xffff;
	s2 =	sadd.s32 $0x10, s2;
	v5 =	vmov v3;
	s28 =	smov.u32 s22  }
0x4b: {  	p1 =	slt.u32 s2, $0x1F30;
	_ =	sdelay $0x4  }
0x4c: {  	v3 =	vperm.xlane v4, v1;
	(xrf1) =	vunique.msk.u32 $0xffff, v4;
	_ =	sdelay $0xd  }
0x4d: {  	v6, _, _ =	vpop (xrf1)  }
0x4e: {  	vm5 =	vne.s32 v4, v5;
	vm4 =	veq.s32 v6, v2  }
0x4f: {  	vm6 =	vlt.u32 v4, $0x2800;
	vm4 =	vmand vm5, vm4  }
0x50: {  	vm4 =	vmand vm6, vm4  }
0x51: {  	v4 =	vnsel vm4, $0xFFFFFFFF, v4  }
.Ltmp3:
0x52: {  	v5 =	vnsel vm6, $0xFFFFFFFE, v4;
	(pc) =	sbr.rel @p1 .LBB2_3-.Ltmp3, $3  }
0x53: {  	_ =	sdelay $0x1  }
0x54: {  	s22 =	sadd.s32 $0xFFFFFFF0, s22;
	s26 =	sadd.s32 $0xFFFFFFF0, s26;
	(ifvalue) =	ssetifvalue $0xFFFFFFFF  }
0x55: {  	[tilespmem:s26], [sflag:$0x8] =	stream.indirect_vreg.gather [hbm4b:s1+s16], $0x1, v4, vm0, $0x4038;
	[tilespmem:s28+$0x0] =	vst v5  }
0x56: {  	s2 =	sshrl.u32 s25, $0x3  }
0x57: {  	s0 =	sadd.s32 $0x9D40, s0;
	s2 =	sadd.s32 s9, s2  }
0x58: {  	[tilespmem:s0], [sflag:$0x8] =	stream.linear.gather [hbm:s2], $0x1F40, $0x38;
	[tilespmem:$0x11A60] =	vst v63  }
.LBB2_5:
0x59: {  	p1 =	slt.u32 s24, $0x2  }
0x5a: {  	p2 =	sge.u32 @!p1 s24, s12  }
0x5b: {  	p1 =	por p1, p2  }
.Ltmp4:
0x5c: {  	_ = 	snop;
	(pc) =	sbr.rel @p1 .LBB2_9-.Ltmp4, $1  }
0x5d: {  	_ =	sdelay $0x3  }
0x5e: {  	s0 =	sadd.s32 $0xFFFFFFFE, s24  }
0x5f: {  	s2 =	smulhi.u32 $0xAAAAAAAB, s0;
	_ =	sdelay $0x1  }
0x60: {  	s2 =	sshrl.u32 s2, $0x1  }
0x61: {  	s2 =	smul.u32 $0x3, s2;
	_ =	sdelay $0x1  }
0x62: {  	s0 =	ssub.s32 s0, s2  }
0x63: {  	_ =	swait.ge [sflag:s8], $0x3E80;
	s0 =	smul.u32 $0x1F40, s0  }
0x64: {  	p1 =	sne.s32 s24, s11;
	[sflag:s8] =	ssyncset.done $0x0  }
0x65: {  	[sflag:s8] =	ssyncadd.s32 $0xFFFFC180;
	s2 =	sadd.s32 @!p1 $0x203F, s0  }
0x66: {  	[spmem:s14] =	stream.linear.scatter @!p1 [tilespmem:s2], [sflag:$0x1], $0x1, $0x38;
	[tilespmem:$0x11A60] =	vst v63  }
0x67: {  	s2 =	simm.s32 @!p1 $0x1  }
0x68: {  	_ =	swait.ge @!p1 [sflag:s2], $0x1  }
0x69: {  	s22 =	sshll.u32 s24, $0x4;
	[sflag:s2] =	ssyncset.done @!p1 $0x0  }
0x6a: {  	s25 =	sand.u32 $0x10, s22;
	[sflag:s2] =	ssyncadd.s32 @!p1 $0xFFFFFFFF  }
0x6b: {  	s2 =	sxor.u32 $0x10, s25;
	v4 =	vld [tilespmem:s25+$0x10]  }
0x6c: {  	v5 =	vld [tilespmem:s2+$0x60]  }
0x6d: {  	v3 =	vld [tilespmem:$0x80];
	_ =	sdelay $0x2  }
0x6e: {  	(v2sf) =	vpush v4, $0x0  }
0x6f: {  	(v2sf) =	vpush v5, $0x0  }
0x70: {  	(v2sf) =	vpush v3, $0x0;
	_ =	sdelay $0xc  }
0x71: {  	s22 =	spop (v2sf)  }
0x72: {  	s26 =	spop (v2sf)  }
0x73: {  	s28 =	spop (v2sf)  }
0x74: {  	p2 =	seq.s32 s22, s26;
	p3 =	seq.s32 s28, s22  }
0x75: {  	p3 =	por p2, p3  }
0x76: {  	s26 =	sand.u32 $0x1, s24;
	v4 =	vpsel p3, $0xFFFFFFFF, v4  }
0x77: {  	s29 =	smul.u32 $0x1F40, s26;
	[tilespmem:s25+$0x10] =	vst.msk $0x1, v4  }
0x78: {  	v4 =	vld [tilespmem:$0x30]  }
0x79: {  	v5 =	vld [tilespmem:s29+$0x9D40]  }
0x7a: {  	v6 =	vld [tilespmem:s25+$0x40];
	_ =	sdelay $0x3  }
0x7b: {  	vm4 =	vmmov vm1;
	v5 =	vadd.f32 v5, v4  }
0x7c: {  	vm5 =	vmmov vm2;
	vm4 =	vmmov @p2 vm2;
	s22 =	sshll.u32 s26, $0x4;
	v4 =	vadd.f32 v6, v4  }
0x7d: {  	s26 =	sor.u32 $0x11A40, s22;
	vm5 =	vmmov @p3 vm1;
	[tilespmem:s29+$0x9D40] =	vst.msk vm4, v5  }
0x7e: {  	[tilespmem:s26+$0x0] =	vst.msk vm5, v4  }
0x7f: {  	v4 =	vld [tilespmem:s29+$0x7DF0];
	_ =	sdelay $0x3  }
0x80: {  	v5 =	vimm.f32 $0.0e+00  }
0x81: {  	v4 =	vshift.insert v4, v5, s21  }
0x82: {  	s22 =	sor.u32 $0x40, s2  }
0x83: {  	[tilespmem:s22+$0x0] =	vst.msk $0x1, v4  }
0x84: {  	[tilespmem:s29+$0x7DFF] =	vst.msk $0x1, v5  }
0x85: {  	v4 =	vld [tilespmem:s0+$0x2030];
	_ =	sdelay $0x1  }
0x86: {  	s22 =	smulhi.u32 $0xAAAAAAAB, s20;
	s0 =	simm.s32 $0x1  }
0x87: {  	s0 =	simm.s32 @!p0 $0x0  }
0x88: {  	s22 =	sshrl.u32 s22, $0x1;
	s0 =	smul.u32 $0x7D00, s0  }
0x89: {  	s22 =	smul.u32 $0xFFFE8900, s22;
	v4 =	vshift.insert v4, v1, s21  }
0x8a: {  	s0 =	sshrl.u32 s0, $0x2  }
0x8b: {  	s22 =	sshra.s32 s22, $0x2;
	s30 =	sadd.s32 $0x9D40, s0;
	[tilespmem:s2+$0x10] =	vst.msk $0x1, v4  }
0x8c: {  	s22 =	sadd.s32 s22, s19;
	v6 =	vld [tilespmem:s30+$0x0]  }
0x8d: {  	v7 =	vld [tilespmem:s22+$0x0];
	_ =	sdelay $0x3  }
0x8e: {  	v5 =	vadd.f32 v6, v5  }
0x8f: {  	vm4 =	vne.s32 v7, $0xFFFFFFFF  }
0x90: {  	(xrf2) =	vadd.seg.scan.f32 vm4, v5;
	_ =	sdelay $0x3  }
0x91: {  	s31 =	sadd.s32 $0x5EC0, s0;
	v5 =	vperm.xlane v4, v1  }
0x92: {  	v6 =	vld [tilespmem:s31+$0x0]  }
0x93: {  	vm5 =	veq.s32 v7, v3;
	vm6 =	veq.s32 v7, v5  }
0x94: {  	vm7 =	vgt.u32 v7, $0xFFFFFFFD;
	vm6 =	vmor vm6, vm5  }
0x95: {  	vm6 =	vmor vm6, vm7  }
0x96: {  	v9 =	vld [tilespmem:$0xA0];
	v7 =	vsel vm6, $0xFFFFFFFF, v7  }
0x97: {  	v10 =	vld [tilespmem:$0x90];
	v6 =	vsel vm5, $0x0, v6;
	v8, _, _ =	vpop (xrf2)  }
0x98: {  	v6 =	vadd.f32 v8, v6  }
0x99: {  	s0 =	sadd.s32 $0xDBC0, s0  }
0x9a: {  	vm4 =	vmand vm4, vm3;
	[tilespmem:s0+$0x0] =	vst v6;
	(ifvalue) =	ssetifvalue $0xFFFFFFFF  }
0x9b: {  	vm6 =	veq.s32 v9, $0x1;
	[hbm4b:s1+s16] =	stream.indirect_vreg.scatter [tilespmem:s0], [sflag:$0x2], $0x1, v7, vm0, $0x4038;
	v7 =	vsel vm4, $0x0, v8;
	[tilespmem:$0x11A60] =	vst v63  }
0x9c: {  	s2 =	simm.s32 $0x0;
	s22 =	sadd.s32 $0x10, s22;
	vm4 =	vmor vm6, vm5;
	v6 =	vsel vm5, v8, v10;
	v7 =	vshift.insert v7, v0, s21  }
.LBB2_7:
0x9d: {  	v8 =	vld [tilespmem:s22+$0x0];
	s30 =	sadd.s32 $0x10, s30  }
0x9e: {  	s31 =	sadd.s32 $0x10, s31;
	v9 =	vld [tilespmem:s30+$0x0]  }
0x9f: {  	s2 =	sadd.s32 $0x10, s2;
	v10 =	vld [tilespmem:s31+$0x0]  }
0xa0: {  	p2 =	slt.u32 s2, $0x1F30;
	_ =	sdelay $0x2  }
0xa1: {  	v7 =	vadd.f32 v9, v7  }
0xa2: {  	vm5 =	vne.s32 v8, $0xFFFFFFFF  }
0xa3: {  	vm6 =	vmand vm5, vm3;
	(xrf2) =	vadd.seg.scan.f32 vm5, v7;
	_ =	sdelay $0x5  }
0xa4: {  	vm7 =	veq.s32 v8, v5;
	vm5 =	veq.s32 v8, v3  }
0xa5: {  	vm8 =	vgt.u32 v8, $0xFFFFFFFD;
	vm4 =	vmor vm4, vm5;
	vm7 =	vmor vm7, vm5  }
0xa6: {  	vm7 =	vmor vm7, vm8  }
0xa7: {  	v8 =	vsel vm7, $0xFFFFFFFF, v8  }
.Ltmp5:
0xa8: {  	v7 =	vsel vm5, $0x0, v10;
	v9, _, _ =	vpop (xrf2);
	(pc) =	sbr.rel @p2 .LBB2_7-.Ltmp5, $4  }
0xa9: {  	v6 =	vsel vm5, v9, v6;
	v10 =	vadd.f32 v9, v7;
	v7 =	vsel vm6, $0x0, v9  }
0xaa: {  	s0 =	sadd.s32 $0x10, s0;
	v7 =	vshift.insert v7, v0, s21  }
0xab: {  	s22 =	sadd.s32 $0x10, s22;
	[tilespmem:s0+$0x0] =	vst v10;
	(ifvalue) =	ssetifvalue $0xFFFFFFFF  }
0xac: {  	[hbm4b:s1+s16] =	stream.indirect_vreg.scatter [tilespmem:s0], [sflag:$0x2], $0x1, v8, vm0, $0x4038;
	[tilespmem:$0x11A60] =	vst v63  }
0xad: {  	v3 =	vld [tilespmem:s29+$0xFAF0];
	_ =	sdelay $0x4  }
0xae: {  	v3 =	vshift.insert v3, v0, s21  }
0xaf: {  	s0 =	simm.s32 $0x30  }
0xb0: {  	[tilespmem:s0+$0x0] =	vst.msk $0x1, v3  }
0xb1: {  	v3 =	vsel vm4, $0x1, v1;
	[tilespmem:$0x90] =	vst v6  }
0xb2: {  	s0 =	sadd.s32 @!p1 $0xFAFF, s29;
	[tilespmem:$0xA0] =	vst v3  }
0xb3: {  	[spmem:s15] =	stream.linear.scatter @!p1 [tilespmem:s0], [sflag:$0x1], $0x1, $0x38;
	[tilespmem:$0x11A60] =	vst v63  }
0xb4: {  	s0 =	simm.s32 @!p1 $0x1  }
0xb5: {  	v3 =	vmctz.xlane @!p1 vm4;
	_ =	swait.ge @!p1 [sflag:s0], $0x1  }
0xb6: {  	(v2sf) =	vpush @!p1 v4, $0x0  }
0xb7: {  	(v2sf) =	vpush @!p1 v3, $0x0;
	_ =	sdelay $0xd  }
0xb8: {  	s2 =	spop @!p1 (v2sf)  }
0xb9: {  	s22 =	spop @!p1 (v2sf)  }
0xba: {  	p2 =	sne.s32 @!p1 s28, s2;
	p3 =	slt.s32 @!p1 s22, $0xF  }
0xbb: {  	[sflag:s0] =	ssyncset.done @!p1 $0x0;
	p2 =	por p2, p1;
	p3 =	por !p3, p1  }
0xbc: {  	[sflag:s0] =	ssyncadd.s32 @!p1 $0xFFFFFFFF;
	v3 =	vimm.s32 @!p2 $0xFFFFFFFF;
	s22 =	simm.s32 @p3 $0xF  }
0xbd: {  	[tilespmem:$0x80] =	vst @!p2 v3;
	s2 =	sadd.s32 @!p1 $0x90, s22  }
0xbe: {  	[spmem:s3] =	stream.linear.scatter @!p1 [tilespmem:s2], [sflag:$0x1], $0x1, $0x38;
	[tilespmem:$0x11A60] =	vst v63  }
0xbf: {  	_ =	swait.ge @!p1 [sflag:s0], $0x1  }
0xc0: {  	[sflag:s0] =	ssyncset.done @!p1 $0x0  }
0xc1: {  	s2 =	simm.s32 @!p1 $0x80;
	[sflag:s0] =	ssyncadd.s32 @!p1 $0xFFFFFFFF  }
0xc2: {  	[spmem:s13] =	stream.linear.scatter @!p1 [tilespmem:s2], [sflag:$0x1], $0x1, $0x38;
	[tilespmem:$0x11A60] =	vst v63  }
0xc3: {  	_ =	swait.ge @!p1 [sflag:s0], $0x1  }
0xc4: {  	[sflag:s0] =	ssyncset.done @!p1 $0x0  }
0xc5: {  	[sflag:s0] =	ssyncadd.s32 @!p1 $0xFFFFFFFF;
	(ifvalue) =	ssetifvalue $0xFFFFFFFF;
	v3 =	vld [tilespmem:s25+$0x10];
	_ =	sdelay $0x3  }
.Ltmp6:
0xc6: {  	_ = 	snop;
	(pc) =	sbr.rel .LBB2_9-.Ltmp6, $3  }
0xc7: {  	_ =	sdelay $0x1  }
0xc8: {  	(ifvalue) =	ssetifvalue $0xFFFFFFFF  }
0xc9: {  	[hbm4b:s1+s16] =	stream.indirect_vreg.scatter [tilespmem:s26], [sflag:$0x9], $0x1, v3, vm0, $0x4038;
	[tilespmem:$0x11A60] =	vst v63  }
.LBB2_10:
0xca: {  	_ =	sfence.sel $0x180000  }
0xcb: {  	s0 =	simm.s32 $0x7;
	[bflag:$0x0] =	sbarrier.arrive $0xFFFF  }
0xcc: {  	s26 =	simm.s32 $0x8;
	[sflag:s0] =	ssyncpa.u1 $0x1  }
0xcd: {  	s28 =	simm.s32 $0x9;
	[sflag:s26] =	ssyncpa.u1 $0x1  }
0xce: {  	[sflag:s28] =	ssyncpa.u1 $0x1  }
0xcf: {  	_ =	sfence.stream.spmem  }
0xd0: {  	s29 =	simm.s32 $0x3;
	[bflag:$0x0] =	sbarrier.arrive $0xFFFF  }
0xd1: {  	s30 =	simm.s32 $0x4;
	[sflag:s29] =	ssyncpa.u1 $0x1  }
0xd2: {  	s31 =	simm.s32 $0x3C;
	s2 =	stileid.u32;
	[sflag:s30] =	ssyncpa.u1 $0x1  }
0xd3: {  	p0 =	sne.s32 s2, $0x0;
	[sflag:s31] =	ssyncpa.u1 $0x1  }
0xd4: {  	s0 =	simm.s32 @p0 $0x1;
	_ =	sfence @p0  }
0xd5: {  	[sflag:s0] =	ssyncpa.u1 @p0 $0x1;
	s0 =	simm.s32 @p0 $0x2  }
0xd6: {  	[sflag:s0] =	ssyncpa.u1 @p0 $0x1  }
0xd7: {  	_ =	strace @p0 $0x90000047  }
0xd8: {  	[bflag:$0x2] =	sbarrier.arrive @p0 $0xFFFF  }
0xd9: {  	_ =	shalt @p0  }
.LBB2_11:
0xda: {  	_ =	sfence.stream.spmem;
	s0 =	simm.s32 $0x5  }
0xdb: {  	s2 =	simm.s32 $0x80;
	s3 =	simm.s32 $0xC0;
	[sflag:s0] =	ssyncpa.u1 $0x0  }
0xdc: {  	[tilespmem:s3], [sflag:$0x5] =	stream.linear.gather [spmem:s2], $0x20, $0x38;
	[tilespmem:$0x11A60] =	vst v63  }
0xdd: {  	s2 =	simm.s32 $0x0;
	s3 =	simm.s32 $0xE0  }
0xde: {  	[tilespmem:s3], [sflag:$0x5] =	stream.linear.gather [spmem:s2], $0x20, $0x38;
	[tilespmem:$0x11A60] =	vst v63  }
.Ltmp7:
0xdf: {  	_ = 	snop;
	(pc) =	sbr.rel .LBB2_12-.Ltmp7, $4  }
0xe0: {  	_ =	swait.ge [sflag:s0], $0x40  }
0xe1: {  	[sflag:s0] =	ssyncset.done $0x0  }
0xe2: {  	s31 =	simm.s32 $0x6;
	[sflag:s0] =	ssyncadd.s32 $0xFFFFFFC0  }
0xe3: {  	s4 =	simm.s32 $0x0;
	[sflag:s31] =	ssyncpa.u1 $0x0  }
.LBB2_17:
0xe4: {  	p0 =	sgt.u32 s5, $0x27FF  }
0xe5: {  	s0 =	sshrl.u32 @!p0 s5, $0x3  }
0xe6: {  	s5 =	sand.u32 @!p0 $0x7, s5;
	s6 =	simm.s32 @!p0 $0xB0;
	s0 =	sadd.s32 @!p0 s1, s0  }
0xe7: {  	[tilespmem:s6], [sflag:$0x6] =	stream.linear.gather @!p0 [hbm4b:s0+s5], $0x1, $0x38;
	[tilespmem:$0x11A60] =	vst v63  }
0xe8: {  	s0 =	simm.s32 @!p0 $0x6  }
0xe9: {  	_ =	swait.ge @!p0 [sflag:s0], $0x1  }
0xea: {  	[sflag:s0] =	ssyncset.done @!p0 $0x0  }
0xeb: {  	[sflag:s0] =	ssyncadd.s32 @!p0 $0xFFFFFFFF  }
0xec: {  	v2 =	vmov @!p0 s4;
	v1 =	vld.msk @!p0 [tilespmem:$0xB0], $0x1;
	_ =	sdelay $0x3  }
0xed: {  	s0 =	simm.s32 @!p0 $0xE0  }
0xee: {  	[tilespmem:v2+s0+$0x0], v1 =	vst.idx.ret.add.f32.msk @!p0 $0x1, v1  }
0xef: {  	[tilespmem:s2+$0xC0] =	vst.msk $0x1, v0  }
0xf0: {  	v0 =	vld.msk [tilespmem:s4+$0xE0], $0x1;
	_ =	sdelay $0x4  }
0xf1: {  	[tilespmem:s2+$0xE0] =	vst.msk $0x1, v0;
	s2 =	sadd.s32 $0x1, s2  }
.LBB2_19:
0xf2: {  	s4 =	sadd.s32 $0x1, s4  }
0xf3: {  	p0 =	sne.s32 s4, $0x20  }
.Ltmp8:
0xf4: {  	_ = 	snop;
	(pc) =	sbr.rel @!p0 .LBB2_20-.Ltmp8, $1  }
0xf5: {  	_ =	sdelay $0x3  }
.LBB2_12:
0xf6: {  	v0 =	vld.msk [tilespmem:s4+$0xC0], $0x1;
	_ =	sdelay $0x4  }
0xf7: {  	(v2sf) =	vpush v0, $0x0;
	_ =	sdelay $0xe  }
0xf8: {  	s5 =	spop (v2sf)  }
0xf9: {  	p0 =	seq.s32 s5, $0xFFFFFFFF  }
.Ltmp9:
0xfa: {  	_ = 	snop;
	(pc) =	sbr.rel @p0 .LBB2_19-.Ltmp9, $1  }
0xfb: {  	_ =	sdelay $0x3  }
0xfc: {  	p0 =	slt.s32 s2, $0x1  }
.Ltmp10:
0xfd: {  	_ = 	snop;
	(pc) =	sbr.rel @p0 .LBB2_17-.Ltmp10, $1  }
0xfe: {  	_ =	sdelay $0x3  }
0xff: {  	s0 =	simm.s32 $0xC0;
	p0 =	por $0x0, $0x0  }
0x100: {  	v1 =	vld.msk @!p0 [tilespmem:s0+$0x0], $0x1;
	_ =	sdelay $0x4  }
0x101: {  	(v2sf) =	vpush @!p0 v1, $0x0;
	_ =	sdelay $0xd  }
0x102: {  	p2 =	sne.s32 s2, $0x1  }
.Ltmp11:
0x103: {  	s6 =	spop @!p0 (v2sf);
	(pc) =	sbr.rel @!p2 .LBB2_16-.Ltmp11, $4  }
0x104: {  	p1 =	seq.s32 @!p0 s5, s6  }
0x105: {  	s6 =	simm.s32 $0x0;
	p1 =	por !p1, p0  }
0x106: {  	s8 =	simm.s32 $0xFFFFFFFF;
	s6 =	simm.s32 @p1 $0xFFFFFFFF  }
0x107: {  	s7 =	simm.s32 $0x1;
	s6 =	smov.u32 @p0 s8  }
.LBB2_15:
0x108: {  	s8 =	smov.u32 s6;
	p0 =	sne.s32 s6, $0xFFFFFFFF  }
0x109: {  	s0 =	sadd.s32 $0x1, s0;
	s6 =	smov.u32 s7;
	s7 =	sadd.s32 $0x1, s7  }
0x10a: {  	p1 =	sne.s32 s2, s7;
	v1 =	vld.msk @!p0 [tilespmem:s0+$0x0], $0x1;
	_ =	sdelay $0x4  }
0x10b: {  	(v2sf) =	vpush @!p0 v1, $0x0;
	_ =	sdelay $0xe  }
.Ltmp12:
0x10c: {  	s9 =	spop @!p0 (v2sf);
	(pc) =	sbr.rel @p1 .LBB2_15-.Ltmp12, $4  }
0x10d: {  	p2 =	seq.s32 @!p0 s5, s9  }
0x10e: {  	p2 =	por !p2, p0  }
0x10f: {  	s6 =	simm.s32 @p2 $0xFFFFFFFF  }
0x110: {  	s6 =	smov.u32 @p0 s8  }
.LBB2_16:
0x111: {  	p0 =	sne.s32 s6, $0xFFFFFFFF  }
.Ltmp13:
0x112: {  	_ = 	snop;
	(pc) =	sbr.rel @!p0 .LBB2_17-.Ltmp13, $1  }
0x113: {  	_ =	sdelay $0x3  }
0x114: {  	v0 =	vld.msk [tilespmem:s4+$0xE0], $0x1;
	v1 =	vmov s6  }
.Ltmp14:
0x115: {  	_ = 	snop;
	(pc) =	sbr.rel .LBB2_19-.Ltmp14, $2  }
0x116: {  	_ =	sdelay $0x2  }
0x117: {  	[tilespmem:v1+s3+$0x0], v0 =	vst.idx.ret.add.f32.msk $0x1, v0  }
.LBB2_20:
0x118: {  	p0 =	slt.s32 s2, $0x1  }
.Ltmp15:
0x119: {  	_ = 	snop;
	(pc) =	sbr.rel @p0 .LBB2_24-.Ltmp15, $3  }
0x11a: {  	_ =	sdelay $0x1  }
0x11b: {  	s0 =	simm.s32 $0x6  }
0x11c: {  	s3 =	simm.s32 $0x0;
	[sflag:s0] =	ssyncpa.u1 $0x1  }
0x11d: {  	s0 =	simm.s32 $0xC0  }
0x11e: {  	v0 =	vld.msk [tilespmem:s0+$0x0], $0x1;
	_ =	sdelay $0x4  }
0x11f: {  	(v2sf) =	vpush v0, $0x0;
	_ =	sdelay $0xe  }
0x120: {  	s2 =	sadd.s32 $0xFFFFFFFF, s2;
	s4 =	spop (v2sf)  }
0x121: {  	p1 =	sne.s32 s2, $0x0;
	p0 =	sgt.u32 s4, $0x27FF  }
.Ltmp16:
0x122: {  	s5 =	sshrl.u32 @!p0 s4, $0x3;
	(pc) =	sbr.rel @!p1 .LBB2_23-.Ltmp16, $4  }
0x123: {  	s0 =	simm.s32 $0xE0;
	s4 =	sand.u32 @!p0 $0x7, s4;
	s5 =	sadd.s32 @!p0 s1, s5  }
0x124: {  	[hbm4b:s5+s4] =	stream.linear.scatter @!p0 [tilespmem:s0], [sflag:$0x5], $0x1, $0x38;
	[tilespmem:$0x11A60] =	vst v63  }
0x125: {  	s5 =	simm.s32 $0x0  }
0x126: {  	s4 =	simm.s32 $0xC1;
	s5 =	simm.s32 @!p0 $0x4  }
.LBB2_22:
0x127: {  	v0 =	vld.msk [tilespmem:s4+$0x0], $0x1;
	s2 =	sadd.s32 $0xFFFFFFFF, s2;
	s3 =	sadd.s32 s3, s5  }
0x128: {  	p0 =	sne.s32 s2, $0x0;
	_ =	sdelay $0x3  }
0x129: {  	(v2sf) =	vpush v0, $0x0;
	_ =	sdelay $0xe  }
.Ltmp17:
0x12a: {  	s6 =	spop (v2sf);
	(pc) =	sbr.rel @p0 .LBB2_22-.Ltmp17, $4  }
0x12b: {  	s5 =	simm.s32 $0x0;
	p1 =	sgt.u32 s6, $0x27FF  }
0x12c: {  	s0 =	sadd.s32 $0x1, s0;
	s5 =	simm.s32 @!p1 $0x4;
	s7 =	sshrl.u32 @!p1 s6, $0x3  }
0x12d: {  	s4 =	sadd.s32 $0x1, s4;
	s6 =	sand.u32 @!p1 $0x7, s6;
	s7 =	sadd.s32 @!p1 s1, s7  }
0x12e: {  	[hbm4b:s7+s6] =	stream.linear.scatter @!p1 [tilespmem:s0], [sflag:$0x5], $0x1, $0x38;
	[tilespmem:$0x11A60] =	vst v63  }
.LBB2_23:
0x12f: {  	s0 =	sadd.s32 s3, s5  }
0x130: {  	s3 =	sshrl.u32 s0, $0x2  }
.LBB2_24:
0x131: {  	s0 =	simm.s32 $0x5  }
0x132: {  	_ =	swait.ge [sflag:s0], s3  }
0x133: {  	s1 =	ssub.s32 $0x0, s3;
	[sflag:s0] =	ssyncset.done $0x0  }
0x134: {  	[sflag:s0] =	ssyncadd.s32 s1  }
0x135: {  	[sflag:s0] =	ssyncpa.u1 $0x1  }
0x136: {  	s29 =	simm.s32 $0x1;
	_ =	sfence  }
0x137: {  	s30 =	simm.s32 $0x2;
	[sflag:s29] =	ssyncpa.u1 $0x1  }
0x138: {  	[sflag:s30] =	ssyncpa.u1 $0x1  }
0x139: {  	_ =	strace $0x90000047  }
0x13a: {  	[bflag:$0x2] =	sbarrier.arrive $0xFFFF  }
0x13b: {  	s31 =	rddreg [dreg:$0x1]  }
0x13c: {  	s0 =	sadd.s32 $0x100000, s31  }
0x13d: {  	[sflag:s0] =	ssyncadd.tile.s32 $0x1;
	_ =	shalt  }
.Lfunc_end2:
_tile_overlayer_lowered:
.L_overlay_start_2:
0x13e: {  	(tag) =	ssettag $0x2  }
0x13f: {  	s0 =	rddreg [dreg:$0x0];
	s2 =	stileid.u32  }
0x140: {  	s1 =	rddreg [dreg:$0x1];
	p0 =	sne.s32 s2, $0x0  }
0x141: {  	s3 =	rddreg [dreg:$0x2];
	[bflag:$0x3] =	sbarrier.arrive $0xFFFF;
	s2 =	simm.s32 @!p0 $0x1C01  }
0x142: {  	[timem:s3], [sflag:s2] =	dma.local @!p0 [hbm:s0], s1  }
0x143: {  	s0 =	simm.s32 @!p0 $0x1  }
0x144: {  	_ =	swait.ge @!p0 [sflag:s0], s1  }
0x145: {  	s1 =	ssub.s32 @!p0 $0x0, s1;
	[sflag:s0] =	ssyncset.done @!p0 $0x0  }
0x146: {  	[sflag:s0] =	ssyncadd.s32 @!p0 s1  }
0x147: {  	[bflag:$0x3] =	sbarrier.arrive $0xFFFF  }
0x148: {  	_ =	shalt  }

</sc_bundles>
